<compile_context>
chip_gen: v7x
topology: tpu7x:2x2x1
jax: 0.10.2.dev20260603
libtpu: 0.0.44.dev20260713+nightly
codegen_flags: <defaults>
</compile_context>

<pallas_src>
import functools

import numpy as np
import jax
import jax.numpy as jnp
from jax import lax
from jax.experimental import pallas as pl
from jax.experimental.pallas import tpu as pltpu
from jax.experimental.pallas import tpu_sc as plsc

_B, _H, _W, _C = 4, 224, 224, 96
_OUT_SHAPE = (224, 224)
_CENTER = (112.0, 112.0)
_MAX_RADIUS = 112.0

_NW = 32
_NROWS = _B * _H * _W
_PER_W = _NROWS // _NW
_CHUNK = 64
_NCHUNK = _PER_W // _CHUNK

_tables_cache = None


def _build_tables():
    global _tables_cache
    if _tables_cache is not None:
        return _tables_cache
    radius = np.linspace(0.0, _MAX_RADIUS, _OUT_SHAPE[0], dtype=np.float32).astype(np.float64)
    theta = np.linspace(0.0, 2.0 * np.pi, _OUT_SHAPE[1], endpoint=False,
                        dtype=np.float32).astype(np.float64)
    c1 = _CENTER[0] + radius[:, None] * np.cos(theta)[None, :]
    c2 = _CENTER[1] + radius[:, None] * np.sin(theta)[None, :]
    x0f = np.floor(c1); fx = c1 - x0f
    y0f = np.floor(c2); fy = c2 - y0f
    x0 = np.clip(x0f, 0, _H - 1).astype(np.int64)
    x1 = np.clip(x0f + 1, 0, _H - 1).astype(np.int64)
    y0 = np.clip(y0f, 0, _W - 1).astype(np.int64)
    y1 = np.clip(y0f + 1, 0, _W - 1).astype(np.int64)
    i = np.stack([(x0 * _W + y0).ravel(), (x0 * _W + y1).ravel(),
                  (x1 * _W + y0).ravel(), (x1 * _W + y1).ravel()])
    w = np.stack([((1 - fx) * (1 - fy)).ravel(), ((1 - fx) * fy).ravel(),
                  (fx * (1 - fy)).ravel(), (fx * fy).ravel()])
    boff = (np.arange(_B) * (_H * _W))[None, :, None]
    idx = (i[:, None, :] + boff).reshape(4 * _NROWS).astype(np.int32)
    wts = np.ascontiguousarray(
        np.broadcast_to(w.T[None], (_B, _H * _W, 4)).reshape(_NROWS, 4)
    ).astype(np.float32)
    _tables_cache = (idx, wts.reshape(-1))
    return _tables_cache


_CP = 128


def _sc_body(rows_hbm, idx_hbm, wts_hbm, out_hbm,
             idx_v0, idx_v1, w_v0, w_v1, tap_v0, tap_v1, out_v0, out_v1,
             sem0, sem1):
    wid = lax.axis_index("s") * 2 + lax.axis_index("c")
    bufs = ((idx_v0, w_v0, tap_v0, out_v0, sem0),
            (idx_v1, w_v1, tap_v1, out_v1, sem1))

    def start(j, b):
        idx_v, w_v, tap_v, _, sem = bufs[b]
        base = wid * _PER_W + j * _CHUNK
        for t in range(4):
            pltpu.sync_copy(idx_hbm.at[pl.ds(t * _NROWS + base, _CHUNK)],
                            idx_v.at[pl.ds(t * _CHUNK, _CHUNK)])
        pltpu.sync_copy(wts_hbm.at[pl.ds(base * 4, _CHUNK * 4)],
                        w_v.at[pl.ds(0, _CHUNK * 4)])
        for t in range(4):
            pltpu.async_copy(rows_hbm.at[idx_v.at[pl.ds(t * _CHUNK, _CHUNK)]],
                             tap_v.at[t], sem)

    def finish(j, b):
        idx_v, w_v, tap_v, out_v, sem = bufs[b]
        base = wid * _PER_W + j * _CHUNK
        for t in range(4):
            pltpu.make_async_copy(
                rows_hbm.at[idx_v.at[pl.ds(t * _CHUNK, _CHUNK)]],
                tap_v.at[t], sem).wait()

        @plsc.parallel_loop(0, _CHUNK, unroll=4)
        def row(k):
            wvec = w_v[pl.ds(k * 4, 16)]
            w0 = wvec[0]; w1 = wvec[1]; w2 = wvec[2]; w3 = wvec[3]
            for c in range(_C // 16):
                s = pl.ds(c * 16, 16)
                out_v[k, s] = (tap_v[0, k, s] * w0 + tap_v[1, k, s] * w1
                               + tap_v[2, k, s] * w2 + tap_v[3, k, s] * w3)
        pltpu.sync_copy(out_v, out_hbm.at[pl.ds(base, _CHUNK)])

    start(0, 0)

    def pair(j2, carry):
        e = j2 * 2
        start(e + 1, 1)
        finish(e, 0)

        @pl.when(j2 < _NCHUNK // 2 - 1)
        def _():
            start(e + 2, 0)

        finish(e + 1, 1)
        return carry

    lax.fori_loop(0, _NCHUNK // 2, pair, 0)


@jax.jit
def _polar_sc(rows, idx, wts):
    mesh = plsc.VectorSubcoreMesh(core_axis_name="c", subcore_axis_name="s")
    f = functools.partial(
        pl.kernel,
        mesh=mesh,
        out_type=jax.ShapeDtypeStruct((_NROWS, _CP), jnp.float32),
        scratch_types=[
            pltpu.VMEM((4 * _CHUNK,), jnp.int32),
            pltpu.VMEM((4 * _CHUNK,), jnp.int32),
            pltpu.VMEM((_CHUNK * 4 + 16,), jnp.float32),
            pltpu.VMEM((_CHUNK * 4 + 16,), jnp.float32),
            pltpu.VMEM((4, _CHUNK, _CP), jnp.float32),
            pltpu.VMEM((4, _CHUNK, _CP), jnp.float32),
            pltpu.VMEM((_CHUNK, _CP), jnp.float32),
            pltpu.VMEM((_CHUNK, _CP), jnp.float32),
            pltpu.SemaphoreType.DMA,
            pltpu.SemaphoreType.DMA,
        ],
        compiler_params=pltpu.CompilerParams(use_tc_tiling_on_sc=False),
    )(_sc_body)
    return f(rows, idx, wts)


def kernel(inputs):
    assert inputs.shape == (_B, _H, _W, _C)
    rows = jnp.pad(inputs, ((0, 0), (0, 0), (0, 0), (0, _CP - _C))).reshape(_NROWS, _CP)
    idx_np, wts_np = _build_tables()
    out = _polar_sc(rows, jnp.asarray(idx_np), jnp.asarray(wts_np))
    return out[:, :_C].reshape(_B, _H, _W, _C)

# --- scband reference (transcript-rebuilt; emitter-appended) ---
"""Pipeline reference for scband-polar-transform-base-58944131170591 (READ-ONLY COPY).

The authoritative reference and input builder live on the scoring server;
editing this copy changes nothing except your own understanding.
"""

import jax, jax.numpy as jnp
import numpy as np
import jax.scipy.ndimage

OUT_SHAPE = (224, 224)
CENTER = (112.0, 112.0)
MAX_RADIUS = 112.0
ORDER = 1


def _polar_grids(dtype=jnp.float32):
    # Linear-polar sampling grid: rows index radius, cols index angle.
    R_out, T_out = OUT_SHAPE
    radius = jnp.linspace(0.0, MAX_RADIUS, R_out, dtype=dtype)
    theta = jnp.linspace(0.0, 2.0 * np.pi, T_out, endpoint=False, dtype=dtype)
    coord_1 = CENTER[0] + radius[:, None] * jnp.cos(theta)[None, :]
    coord_2 = CENTER[1] + radius[:, None] * jnp.sin(theta)[None, :]
    return coord_1, coord_2


def setup_inputs(seed: int = 0) -> dict:
    key = jax.random.key(seed)
    inputs = jax.random.normal(key, (4, 224, 224, 96), dtype=jnp.float32)
    return {"inputs": inputs}


def reference(inputs):
    B, H, W, C = inputs.shape
    # NHWC -> NCHW -> (B*C, H, W), matching the Keras layer
    img = jnp.transpose(inputs, (0, 3, 1, 2)).reshape(-1, H, W)
    coord_1, coord_2 = _polar_grids(img.dtype)
    n = img.shape[0]
    # batch coordinate grid, broadcast against the spatial sampling grid
    b = jnp.arange(n, dtype=img.dtype).reshape(-1, 1, 1) * jnp.ones_like(coord_1)[None, :, :]
    ones_b = jnp.ones((n, 1, 1), dtype=img.dtype)
    x = coord_1[None, :, :] * ones_b
    y = coord_2[None, :, :] * ones_b
    # coordinates stacked as [b, x, y]; order=1 bilinear, fill_mode='nearest'
    out = jax.scipy.ndimage.map_coordinates(img, [b, x, y], order=ORDER, mode='nearest')
    out = out.reshape(-1, C, out.shape[1], out.shape[2])
    out = jnp.transpose(out, (0, 2, 3, 1))
    return out

if __name__ == "__main__":
    import jax
    _d = setup_inputs()
    print(jax.jit(kernel)(*tuple(_d.values())))

</pallas_src>

<mosaic_0001>
#map = affine_map<(d0, d1) -> (0, 0)>
#map1 = affine_map<(d0, d1) -> (0)>
module attributes {stable_mosaic.version = 14 : i64} {
  func.func @_sc_body(%arg0: i32, %arg1: i32, %arg2: memref<200704x128xf32, #tpu.memory_space<hbm>>, %arg3: memref<802816xi32, #tpu.memory_space<hbm>>, %arg4: memref<802816xf32, #tpu.memory_space<hbm>>, %arg5: memref<200704x128xf32, #tpu.memory_space<hbm>>, %arg6: memref<256xi32, #tpu.memory_space<vmem>>, %arg7: memref<256xi32, #tpu.memory_space<vmem>>, %arg8: memref<272xf32, #tpu.memory_space<vmem>>, %arg9: memref<272xf32, #tpu.memory_space<vmem>>, %arg10: memref<4x64x128xf32, #tpu.memory_space<vmem>>, %arg11: memref<4x64x128xf32, #tpu.memory_space<vmem>>, %arg12: memref<64x128xf32, #tpu.memory_space<vmem>>, %arg13: memref<64x128xf32, #tpu.memory_space<vmem>>, %arg14: memref<!tpu.dma_semaphore, #tpu.memory_space<semaphore_mem>>, %arg15: memref<!tpu.dma_semaphore, #tpu.memory_space<semaphore_mem>>) attributes {dimension_semantics = [#tpu.dimension_semantics<core_parallel>, #tpu.dimension_semantics<subcore_parallel>], iteration_bounds = array<i64: 2, 16>, scalar_prefetch = 0 : i64, scratch_operands = 10 : i64, tpu.core_type = #tpu.core_type<sc_vector_subcore>, window_params = [{transform_indices = #map}, {transform_indices = #map1}, {transform_indices = #map1}, {transform_indices = #map}]} {
    %mul3A = arith.constant 2 : i32
    %mul3A_0 = arith.muli %arg1, %mul3A : i32
    %add3A = arith.addi %mul3A_0, %arg0 : i32
    %mul3A_1 = arith.constant 6272 : i32
    %mul3A_2 = arith.muli %add3A, %mul3A_1 : i32
    %add3A_3 = arith.constant 0 : i32
    %add3A_4 = arith.addi %mul3A_2, %add3A_3 : i32
    %add3A_5 = arith.constant 0 : i32
    %add3A_6 = arith.addi %add3A_5, %add3A_4 : i32
    "tpu.region"() ({
      %run_scoped3A = tpu.sem_alloc : memref<!tpu.dma_semaphore, #tpu.memory_space<semaphore_mem>>
      %dma_start3A_59 = arith.constant 0 : i32
      %dma_start3A_60 = tpu.memref_slice %arg6[%dma_start3A_59] : memref<256xi32, #tpu.memory_space<vmem>> -> memref<64xi32, #tpu.memory_space<vmem>>
      %dma_start3A_61 = tpu.memref_slice %arg3[%add3A_6] : memref<802816xi32, #tpu.memory_space<hbm>> -> memref<64xi32, #tpu.memory_space<hbm>>
      %dma_start3A_62 = arith.constant 0 : i32
      %dma_start3A_63 = tpu.memref_slice %arg6[%dma_start3A_62] : memref<256xi32, #tpu.memory_space<vmem>> -> memref<64xi32, #tpu.memory_space<vmem>>
      %dma_start3A_64 = tpu.memref_slice %arg3[%add3A_6] : memref<802816xi32, #tpu.memory_space<hbm>> -> memref<64xi32, #tpu.memory_space<hbm>>
      tpu.enqueue_dma source(%dma_start3A_64 : memref<64xi32, #tpu.memory_space<hbm>>) target(%dma_start3A_63 : memref<64xi32, #tpu.memory_space<vmem>>) target_semaphore(%run_scoped3A : memref<!tpu.dma_semaphore, #tpu.memory_space<semaphore_mem>>)
      %dma_wait3A = arith.constant 0 : i32
      %dma_wait3A_65 = tpu.memref_slice %arg6[%dma_wait3A] : memref<256xi32, #tpu.memory_space<vmem>> -> memref<64xi32, #tpu.memory_space<vmem>>
      %dma_wait3A_66 = tpu.memref_slice %arg3[%add3A_6] : memref<802816xi32, #tpu.memory_space<hbm>> -> memref<64xi32, #tpu.memory_space<hbm>>
      %dma_wait3A_67 = arith.constant 0 : i32
      %dma_wait3A_68 = tpu.memref_slice %arg6[%dma_wait3A_67] : memref<256xi32, #tpu.memory_space<vmem>> -> memref<64xi32, #tpu.memory_space<vmem>>
      %dma_wait3A_69 = tpu.memref_slice %arg3[%add3A_6] : memref<802816xi32, #tpu.memory_space<hbm>> -> memref<64xi32, #tpu.memory_space<hbm>>
      tpu.wait_dma2 semaphore(%run_scoped3A : memref<!tpu.dma_semaphore, #tpu.memory_space<semaphore_mem>>) src(%dma_wait3A_69 : memref<64xi32, #tpu.memory_space<hbm>>) dst(%dma_wait3A_68 : memref<64xi32, #tpu.memory_space<vmem>>)
      tpu.yield
    }) : () -> ()
    %add3A_7 = arith.constant 200704 : i32
    %add3A_8 = arith.addi %add3A_7, %add3A_4 : i32
    "tpu.region"() ({
      %run_scoped3A = tpu.sem_alloc : memref<!tpu.dma_semaphore, #tpu.memory_space<semaphore_mem>>
      %dma_start3A_59 = arith.constant 64 : i32
      %dma_start3A_60 = tpu.memref_slice %arg6[%dma_start3A_59] : memref<256xi32, #tpu.memory_space<vmem>> -> memref<64xi32, #tpu.memory_space<vmem>>
      %dma_start3A_61 = tpu.memref_slice %arg3[%add3A_8] : memref<802816xi32, #tpu.memory_space<hbm>> -> memref<64xi32, #tpu.memory_space<hbm>>
      %dma_start3A_62 = arith.constant 64 : i32
      %dma_start3A_63 = tpu.memref_slice %arg6[%dma_start3A_62] : memref<256xi32, #tpu.memory_space<vmem>> -> memref<64xi32, #tpu.memory_space<vmem>>
      %dma_start3A_64 = tpu.memref_slice %arg3[%add3A_8] : memref<802816xi32, #tpu.memory_space<hbm>> -> memref<64xi32, #tpu.memory_space<hbm>>
      tpu.enqueue_dma source(%dma_start3A_64 : memref<64xi32, #tpu.memory_space<hbm>>) target(%dma_start3A_63 : memref<64xi32, #tpu.memory_space<vmem>>) target_semaphore(%run_scoped3A : memref<!tpu.dma_semaphore, #tpu.memory_space<semaphore_mem>>)
      %dma_wait3A = arith.constant 64 : i32
      %dma_wait3A_65 = tpu.memref_slice %arg6[%dma_wait3A] : memref<256xi32, #tpu.memory_space<vmem>> -> memref<64xi32, #tpu.memory_space<vmem>>
      %dma_wait3A_66 = tpu.memref_slice %arg3[%add3A_8] : memref<802816xi32, #tpu.memory_space<hbm>> -> memref<64xi32, #tpu.memory_space<hbm>>
      %dma_wait3A_67 = arith.constant 64 : i32
      %dma_wait3A_68 = tpu.memref_slice %arg6[%dma_wait3A_67] : memref<256xi32, #tpu.memory_space<vmem>> -> memref<64xi32, #tpu.memory_space<vmem>>
      %dma_wait3A_69 = tpu.memref_slice %arg3[%add3A_8] : memref<802816xi32, #tpu.memory_space<hbm>> -> memref<64xi32, #tpu.memory_space<hbm>>
      tpu.wait_dma2 semaphore(%run_scoped3A : memref<!tpu.dma_semaphore, #tpu.memory_space<semaphore_mem>>) src(%dma_wait3A_69 : memref<64xi32, #tpu.memory_space<hbm>>) dst(%dma_wait3A_68 : memref<64xi32, #tpu.memory_space<vmem>>)
      tpu.yield
    }) : () -> ()
    %add3A_9 = arith.constant 401408 : i32
    %add3A_10 = arith.addi %add3A_9, %add3A_4 : i32
    "tpu.region"() ({
      %run_scoped3A = tpu.sem_alloc : memref<!tpu.dma_semaphore, #tpu.memory_space<semaphore_mem>>
      %dma_start3A_59 = arith.constant 128 : i32
      %dma_start3A_60 = tpu.memref_slice %arg6[%dma_start3A_59] : memref<256xi32, #tpu.memory_space<vmem>> -> memref<64xi32, #tpu.memory_space<vmem>>
      %dma_start3A_61 = tpu.memref_slice %arg3[%add3A_10] : memref<802816xi32, #tpu.memory_space<hbm>> -> memref<64xi32, #tpu.memory_space<hbm>>
      %dma_start3A_62 = arith.constant 128 : i32
      %dma_start3A_63 = tpu.memref_slice %arg6[%dma_start3A_62] : memref<256xi32, #tpu.memory_space<vmem>> -> memref<64xi32, #tpu.memory_space<vmem>>
      %dma_start3A_64 = tpu.memref_slice %arg3[%add3A_10] : memref<802816xi32, #tpu.memory_space<hbm>> -> memref<64xi32, #tpu.memory_space<hbm>>
      tpu.enqueue_dma source(%dma_start3A_64 : memref<64xi32, #tpu.memory_space<hbm>>) target(%dma_start3A_63 : memref<64xi32, #tpu.memory_space<vmem>>) target_semaphore(%run_scoped3A : memref<!tpu.dma_semaphore, #tpu.memory_space<semaphore_mem>>)
      %dma_wait3A = arith.constant 128 : i32
      %dma_wait3A_65 = tpu.memref_slice %arg6[%dma_wait3A] : memref<256xi32, #tpu.memory_space<vmem>> -> memref<64xi32, #tpu.memory_space<vmem>>
      %dma_wait3A_66 = tpu.memref_slice %arg3[%add3A_10] : memref<802816xi32, #tpu.memory_space<hbm>> -> memref<64xi32, #tpu.memory_space<hbm>>
      %dma_wait3A_67 = arith.constant 128 : i32
      %dma_wait3A_68 = tpu.memref_slice %arg6[%dma_wait3A_67] : memref<256xi32, #tpu.memory_space<vmem>> -> memref<64xi32, #tpu.memory_space<vmem>>
      %dma_wait3A_69 = tpu.memref_slice %arg3[%add3A_10] : memref<802816xi32, #tpu.memory_space<hbm>> -> memref<64xi32, #tpu.memory_space<hbm>>
      tpu.wait_dma2 semaphore(%run_scoped3A : memref<!tpu.dma_semaphore, #tpu.memory_space<semaphore_mem>>) src(%dma_wait3A_69 : memref<64xi32, #tpu.memory_space<hbm>>) dst(%dma_wait3A_68 : memref<64xi32, #tpu.memory_space<vmem>>)
      tpu.yield
    }) : () -> ()
    %add3A_11 = arith.constant 602112 : i32
    %add3A_12 = arith.addi %add3A_11, %add3A_4 : i32
    "tpu.region"() ({
      %run_scoped3A = tpu.sem_alloc : memref<!tpu.dma_semaphore, #tpu.memory_space<semaphore_mem>>
      %dma_start3A_59 = arith.constant 192 : i32
      %dma_start3A_60 = tpu.memref_slice %arg6[%dma_start3A_59] : memref<256xi32, #tpu.memory_space<vmem>> -> memref<64xi32, #tpu.memory_space<vmem>>
      %dma_start3A_61 = tpu.memref_slice %arg3[%add3A_12] : memref<802816xi32, #tpu.memory_space<hbm>> -> memref<64xi32, #tpu.memory_space<hbm>>
      %dma_start3A_62 = arith.constant 192 : i32
      %dma_start3A_63 = tpu.memref_slice %arg6[%dma_start3A_62] : memref<256xi32, #tpu.memory_space<vmem>> -> memref<64xi32, #tpu.memory_space<vmem>>
      %dma_start3A_64 = tpu.memref_slice %arg3[%add3A_12] : memref<802816xi32, #tpu.memory_space<hbm>> -> memref<64xi32, #tpu.memory_space<hbm>>
      tpu.enqueue_dma source(%dma_start3A_64 : memref<64xi32, #tpu.memory_space<hbm>>) target(%dma_start3A_63 : memref<64xi32, #tpu.memory_space<vmem>>) target_semaphore(%run_scoped3A : memref<!tpu.dma_semaphore, #tpu.memory_space<semaphore_mem>>)
      %dma_wait3A = arith.constant 192 : i32
      %dma_wait3A_65 = tpu.memref_slice %arg6[%dma_wait3A] : memref<256xi32, #tpu.memory_space<vmem>> -> memref<64xi32, #tpu.memory_space<vmem>>
      %dma_wait3A_66 = tpu.memref_slice %arg3[%add3A_12] : memref<802816xi32, #tpu.memory_space<hbm>> -> memref<64xi32, #tpu.memory_space<hbm>>
      %dma_wait3A_67 = arith.constant 192 : i32
      %dma_wait3A_68 = tpu.memref_slice %arg6[%dma_wait3A_67] : memref<256xi32, #tpu.memory_space<vmem>> -> memref<64xi32, #tpu.memory_space<vmem>>
      %dma_wait3A_69 = tpu.memref_slice %arg3[%add3A_12] : memref<802816xi32, #tpu.memory_space<hbm>> -> memref<64xi32, #tpu.memory_space<hbm>>
      tpu.wait_dma2 semaphore(%run_scoped3A : memref<!tpu.dma_semaphore, #tpu.memory_space<semaphore_mem>>) src(%dma_wait3A_69 : memref<64xi32, #tpu.memory_space<hbm>>) dst(%dma_wait3A_68 : memref<64xi32, #tpu.memory_space<vmem>>)
      tpu.yield
    }) : () -> ()
    %mul3A_13 = arith.constant 4 : i32
    %mul3A_14 = arith.muli %add3A_4, %mul3A_13 : i32
    "tpu.region"() ({
      %run_scoped3A = tpu.sem_alloc : memref<!tpu.dma_semaphore, #tpu.memory_space<semaphore_mem>>
      %dma_start3A_59 = arith.constant 0 : i32
      %dma_start3A_60 = tpu.memref_slice %arg8[%dma_start3A_59] : memref<272xf32, #tpu.memory_space<vmem>> -> memref<256xf32, #tpu.memory_space<vmem>>
      %dma_start3A_61 = tpu.memref_slice %arg4[%mul3A_14] : memref<802816xf32, #tpu.memory_space<hbm>> -> memref<256xf32, #tpu.memory_space<hbm>>
      %dma_start3A_62 = arith.constant 0 : i32
      %dma_start3A_63 = tpu.memref_slice %arg8[%dma_start3A_62] : memref<272xf32, #tpu.memory_space<vmem>> -> memref<256xf32, #tpu.memory_space<vmem>>
      %dma_start3A_64 = tpu.memref_slice %arg4[%mul3A_14] : memref<802816xf32, #tpu.memory_space<hbm>> -> memref<256xf32, #tpu.memory_space<hbm>>
      tpu.enqueue_dma source(%dma_start3A_64 : memref<256xf32, #tpu.memory_space<hbm>>) target(%dma_start3A_63 : memref<256xf32, #tpu.memory_space<vmem>>) target_semaphore(%run_scoped3A : memref<!tpu.dma_semaphore, #tpu.memory_space<semaphore_mem>>)
      %dma_wait3A = arith.constant 0 : i32
      %dma_wait3A_65 = tpu.memref_slice %arg8[%dma_wait3A] : memref<272xf32, #tpu.memory_space<vmem>> -> memref<256xf32, #tpu.memory_space<vmem>>
      %dma_wait3A_66 = tpu.memref_slice %arg4[%mul3A_14] : memref<802816xf32, #tpu.memory_space<hbm>> -> memref<256xf32, #tpu.memory_space<hbm>>
      %dma_wait3A_67 = arith.constant 0 : i32
      %dma_wait3A_68 = tpu.memref_slice %arg8[%dma_wait3A_67] : memref<272xf32, #tpu.memory_space<vmem>> -> memref<256xf32, #tpu.memory_space<vmem>>
      %dma_wait3A_69 = tpu.memref_slice %arg4[%mul3A_14] : memref<802816xf32, #tpu.memory_space<hbm>> -> memref<256xf32, #tpu.memory_space<hbm>>
      tpu.wait_dma2 semaphore(%run_scoped3A : memref<!tpu.dma_semaphore, #tpu.memory_space<semaphore_mem>>) src(%dma_wait3A_69 : memref<256xf32, #tpu.memory_space<hbm>>) dst(%dma_wait3A_68 : memref<256xf32, #tpu.memory_space<vmem>>)
      tpu.yield
    }) : () -> ()
    %dma_start3A = arith.constant 0 : i32
    %dma_start3A_15 = arith.constant 0 : i32
    %dma_start3A_16 = arith.constant 0 : i32
    %dma_start3A_17 = tpu.memref_slice %arg10[%dma_start3A, %dma_start3A_15, %dma_start3A_16] : memref<4x64x128xf32, #tpu.memory_space<vmem>> -> memref<1x64x128xf32, #tpu.memory_space<vmem>>
    %dma_start3A_18 = tpu.memref_squeeze %dma_start3A_17 : memref<1x64x128xf32, #tpu.memory_space<vmem>> -> memref<64x128xf32, #tpu.memory_space<vmem>>
    %dma_start3A_19 = arith.constant 0 : i32
    %dma_start3A_20 = tpu.memref_slice %arg6[%dma_start3A_19] : memref<256xi32, #tpu.memory_space<vmem>> -> memref<64xi32, #tpu.memory_space<vmem>>
    %dma_start3A_21 = arith.constant 0 : i32
    %dma_start3A_22 = arith.constant 0 : i32
    %dma_start3A_23 = tpu.memref_slice %arg2[%dma_start3A_21, %dma_start3A_22] : memref<200704x128xf32, #tpu.memory_space<hbm>> -> memref<200704x128xf32, #tpu.memory_space<hbm>>
    tpu.enqueue_indirect_dma source(%dma_start3A_23 : memref<200704x128xf32, #tpu.memory_space<hbm>>) target(%dma_start3A_18 : memref<64x128xf32, #tpu.memory_space<vmem>>) offsets(%dma_start3A_20 : memref<64xi32, #tpu.memory_space<vmem>>) semaphore(%arg14 : memref<!tpu.dma_semaphore, #tpu.memory_space<semaphore_mem>>)
    %dma_start3A_24 = arith.constant 1 : i32
    %dma_start3A_25 = arith.constant 0 : i32
    %dma_start3A_26 = arith.constant 0 : i32
    %dma_start3A_27 = tpu.memref_slice %arg10[%dma_start3A_24, %dma_start3A_25, %dma_start3A_26] : memref<4x64x128xf32, #tpu.memory_space<vmem>> -> memref<1x64x128xf32, #tpu.memory_space<vmem>>
    %dma_start3A_28 = tpu.memref_squeeze %dma_start3A_27 : memref<1x64x128xf32, #tpu.memory_space<vmem>> -> memref<64x128xf32, #tpu.memory_space<vmem>>
    %dma_start3A_29 = arith.constant 64 : i32
    %dma_start3A_30 = tpu.memref_slice %arg6[%dma_start3A_29] : memref<256xi32, #tpu.memory_space<vmem>> -> memref<64xi32, #tpu.memory_space<vmem>>
    %dma_start3A_31 = arith.constant 0 : i32
    %dma_start3A_32 = arith.constant 0 : i32
    %dma_start3A_33 = tpu.memref_slice %arg2[%dma_start3A_31, %dma_start3A_32] : memref<200704x128xf32, #tpu.memory_space<hbm>> -> memref<200704x128xf32, #tpu.memory_space<hbm>>
    tpu.enqueue_indirect_dma source(%dma_start3A_33 : memref<200704x128xf32, #tpu.memory_space<hbm>>) target(%dma_start3A_28 : memref<64x128xf32, #tpu.memory_space<vmem>>) offsets(%dma_start3A_30 : memref<64xi32, #tpu.memory_space<vmem>>) semaphore(%arg14 : memref<!tpu.dma_semaphore, #tpu.memory_space<semaphore_mem>>)
    %dma_start3A_34 = arith.constant 2 : i32
    %dma_start3A_35 = arith.constant 0 : i32
    %dma_start3A_36 = arith.constant 0 : i32
    %dma_start3A_37 = tpu.memref_slice %arg10[%dma_start3A_34, %dma_start3A_35, %dma_start3A_36] : memref<4x64x128xf32, #tpu.memory_space<vmem>> -> memref<1x64x128xf32, #tpu.memory_space<vmem>>
    %dma_start3A_38 = tpu.memref_squeeze %dma_start3A_37 : memref<1x64x128xf32, #tpu.memory_space<vmem>> -> memref<64x128xf32, #tpu.memory_space<vmem>>
    %dma_start3A_39 = arith.constant 128 : i32
    %dma_start3A_40 = tpu.memref_slice %arg6[%dma_start3A_39] : memref<256xi32, #tpu.memory_space<vmem>> -> memref<64xi32, #tpu.memory_space<vmem>>
    %dma_start3A_41 = arith.constant 0 : i32
    %dma_start3A_42 = arith.constant 0 : i32
    %dma_start3A_43 = tpu.memref_slice %arg2[%dma_start3A_41, %dma_start3A_42] : memref<200704x128xf32, #tpu.memory_space<hbm>> -> memref<200704x128xf32, #tpu.memory_space<hbm>>
    tpu.enqueue_indirect_dma source(%dma_start3A_43 : memref<200704x128xf32, #tpu.memory_space<hbm>>) target(%dma_start3A_38 : memref<64x128xf32, #tpu.memory_space<vmem>>) offsets(%dma_start3A_40 : memref<64xi32, #tpu.memory_space<vmem>>) semaphore(%arg14 : memref<!tpu.dma_semaphore, #tpu.memory_space<semaphore_mem>>)
    %dma_start3A_44 = arith.constant 3 : i32
    %dma_start3A_45 = arith.constant 0 : i32
    %dma_start3A_46 = arith.constant 0 : i32
    %dma_start3A_47 = tpu.memref_slice %arg10[%dma_start3A_44, %dma_start3A_45, %dma_start3A_46] : memref<4x64x128xf32, #tpu.memory_space<vmem>> -> memref<1x64x128xf32, #tpu.memory_space<vmem>>
    %dma_start3A_48 = tpu.memref_squeeze %dma_start3A_47 : memref<1x64x128xf32, #tpu.memory_space<vmem>> -> memref<64x128xf32, #tpu.memory_space<vmem>>
    %dma_start3A_49 = arith.constant 192 : i32
    %dma_start3A_50 = tpu.memref_slice %arg6[%dma_start3A_49] : memref<256xi32, #tpu.memory_space<vmem>> -> memref<64xi32, #tpu.memory_space<vmem>>
    %dma_start3A_51 = arith.constant 0 : i32
    %dma_start3A_52 = arith.constant 0 : i32
    %dma_start3A_53 = tpu.memref_slice %arg2[%dma_start3A_51, %dma_start3A_52] : memref<200704x128xf32, #tpu.memory_space<hbm>> -> memref<200704x128xf32, #tpu.memory_space<hbm>>
    tpu.enqueue_indirect_dma source(%dma_start3A_53 : memref<200704x128xf32, #tpu.memory_space<hbm>>) target(%dma_start3A_48 : memref<64x128xf32, #tpu.memory_space<vmem>>) offsets(%dma_start3A_50 : memref<64xi32, #tpu.memory_space<vmem>>) semaphore(%arg14 : memref<!tpu.dma_semaphore, #tpu.memory_space<semaphore_mem>>)
    %scan3A = arith.constant 0 : i32
    %scan3A_54 = arith.constant 0 : i32
    %scan3A_55 = arith.constant 49 : i32
    %scan3A_56 = arith.addi %scan3A_54, %scan3A_55 : i32
    %scan3A_57 = arith.constant 1 : i32
    scf.for %scan3A_59 = %scan3A_54 to %scan3A_56 step %scan3A_57  : i32 {
      %mul3A_60 = arith.constant 2 : i32
      %mul3A_61 = arith.muli %scan3A_59, %mul3A_60 : i32
      %add3A_62 = arith.constant 1 : i32
      %add3A_63 = arith.addi %mul3A_61, %add3A_62 : i32
      %mul3A_64 = arith.constant 6272 : i32
      %mul3A_65 = arith.muli %add3A, %mul3A_64 : i32
      %mul3A_66 = arith.constant 64 : i32
      %mul3A_67 = arith.muli %add3A_63, %mul3A_66 : i32
      %add3A_68 = arith.addi %mul3A_65, %mul3A_67 : i32
      %add3A_69 = arith.constant 0 : i32
      %add3A_70 = arith.addi %add3A_69, %add3A_68 : i32
      "tpu.region"() ({
        %run_scoped3A = tpu.sem_alloc : memref<!tpu.dma_semaphore, #tpu.memory_space<semaphore_mem>>
        %dma_start3A_217 = arith.constant 0 : i32
        %dma_start3A_218 = tpu.memref_slice %arg7[%dma_start3A_217] : memref<256xi32, #tpu.memory_space<vmem>> -> memref<64xi32, #tpu.memory_space<vmem>>
        %dma_start3A_219 = tpu.memref_slice %arg3[%add3A_70] : memref<802816xi32, #tpu.memory_space<hbm>> -> memref<64xi32, #tpu.memory_space<hbm>>
        %dma_start3A_220 = arith.constant 0 : i32
        %dma_start3A_221 = tpu.memref_slice %arg7[%dma_start3A_220] : memref<256xi32, #tpu.memory_space<vmem>> -> memref<64xi32, #tpu.memory_space<vmem>>
        %dma_start3A_222 = tpu.memref_slice %arg3[%add3A_70] : memref<802816xi32, #tpu.memory_space<hbm>> -> memref<64xi32, #tpu.memory_space<hbm>>
        tpu.enqueue_dma source(%dma_start3A_222 : memref<64xi32, #tpu.memory_space<hbm>>) target(%dma_start3A_221 : memref<64xi32, #tpu.memory_space<vmem>>) target_semaphore(%run_scoped3A : memref<!tpu.dma_semaphore, #tpu.memory_space<semaphore_mem>>)
        %dma_wait3A_223 = arith.constant 0 : i32
        %dma_wait3A_224 = tpu.memref_slice %arg7[%dma_wait3A_223] : memref<256xi32, #tpu.memory_space<vmem>> -> memref<64xi32, #tpu.memory_space<vmem>>
        %dma_wait3A_225 = tpu.memref_slice %arg3[%add3A_70] : memref<802816xi32, #tpu.memory_space<hbm>> -> memref<64xi32, #tpu.memory_space<hbm>>
        %dma_wait3A_226 = arith.constant 0 : i32
        %dma_wait3A_227 = tpu.memref_slice %arg7[%dma_wait3A_226] : memref<256xi32, #tpu.memory_space<vmem>> -> memref<64xi32, #tpu.memory_space<vmem>>
        %dma_wait3A_228 = tpu.memref_slice %arg3[%add3A_70] : memref<802816xi32, #tpu.memory_space<hbm>> -> memref<64xi32, #tpu.memory_space<hbm>>
        tpu.wait_dma2 semaphore(%run_scoped3A : memref<!tpu.dma_semaphore, #tpu.memory_space<semaphore_mem>>) src(%dma_wait3A_228 : memref<64xi32, #tpu.memory_space<hbm>>) dst(%dma_wait3A_227 : memref<64xi32, #tpu.memory_space<vmem>>)
        tpu.yield
      }) : () -> ()
      %add3A_71 = arith.constant 200704 : i32
      %add3A_72 = arith.addi %add3A_71, %add3A_68 : i32
      "tpu.region"() ({
        %run_scoped3A = tpu.sem_alloc : memref<!tpu.dma_semaphore, #tpu.memory_space<semaphore_mem>>
        %dma_start3A_217 = arith.constant 64 : i32
        %dma_start3A_218 = tpu.memref_slice %arg7[%dma_start3A_217] : memref<256xi32, #tpu.memory_space<vmem>> -> memref<64xi32, #tpu.memory_space<vmem>>
        %dma_start3A_219 = tpu.memref_slice %arg3[%add3A_72] : memref<802816xi32, #tpu.memory_space<hbm>> -> memref<64xi32, #tpu.memory_space<hbm>>
        %dma_start3A_220 = arith.constant 64 : i32
        %dma_start3A_221 = tpu.memref_slice %arg7[%dma_start3A_220] : memref<256xi32, #tpu.memory_space<vmem>> -> memref<64xi32, #tpu.memory_space<vmem>>
        %dma_start3A_222 = tpu.memref_slice %arg3[%add3A_72] : memref<802816xi32, #tpu.memory_space<hbm>> -> memref<64xi32, #tpu.memory_space<hbm>>
        tpu.enqueue_dma source(%dma_start3A_222 : memref<64xi32, #tpu.memory_space<hbm>>) target(%dma_start3A_221 : memref<64xi32, #tpu.memory_space<vmem>>) target_semaphore(%run_scoped3A : memref<!tpu.dma_semaphore, #tpu.memory_space<semaphore_mem>>)
        %dma_wait3A_223 = arith.constant 64 : i32
        %dma_wait3A_224 = tpu.memref_slice %arg7[%dma_wait3A_223] : memref<256xi32, #tpu.memory_space<vmem>> -> memref<64xi32, #tpu.memory_space<vmem>>
        %dma_wait3A_225 = tpu.memref_slice %arg3[%add3A_72] : memref<802816xi32, #tpu.memory_space<hbm>> -> memref<64xi32, #tpu.memory_space<hbm>>
        %dma_wait3A_226 = arith.constant 64 : i32
        %dma_wait3A_227 = tpu.memref_slice %arg7[%dma_wait3A_226] : memref<256xi32, #tpu.memory_space<vmem>> -> memref<64xi32, #tpu.memory_space<vmem>>
        %dma_wait3A_228 = tpu.memref_slice %arg3[%add3A_72] : memref<802816xi32, #tpu.memory_space<hbm>> -> memref<64xi32, #tpu.memory_space<hbm>>
        tpu.wait_dma2 semaphore(%run_scoped3A : memref<!tpu.dma_semaphore, #tpu.memory_space<semaphore_mem>>) src(%dma_wait3A_228 : memref<64xi32, #tpu.memory_space<hbm>>) dst(%dma_wait3A_227 : memref<64xi32, #tpu.memory_space<vmem>>)
        tpu.yield
      }) : () -> ()
      %add3A_73 = arith.constant 401408 : i32
      %add3A_74 = arith.addi %add3A_73, %add3A_68 : i32
      "tpu.region"() ({
        %run_scoped3A = tpu.sem_alloc : memref<!tpu.dma_semaphore, #tpu.memory_space<semaphore_mem>>
        %dma_start3A_217 = arith.constant 128 : i32
        %dma_start3A_218 = tpu.memref_slice %arg7[%dma_start3A_217] : memref<256xi32, #tpu.memory_space<vmem>> -> memref<64xi32, #tpu.memory_space<vmem>>
        %dma_start3A_219 = tpu.memref_slice %arg3[%add3A_74] : memref<802816xi32, #tpu.memory_space<hbm>> -> memref<64xi32, #tpu.memory_space<hbm>>
        %dma_start3A_220 = arith.constant 128 : i32
        %dma_start3A_221 = tpu.memref_slice %arg7[%dma_start3A_220] : memref<256xi32, #tpu.memory_space<vmem>> -> memref<64xi32, #tpu.memory_space<vmem>>
        %dma_start3A_222 = tpu.memref_slice %arg3[%add3A_74] : memref<802816xi32, #tpu.memory_space<hbm>> -> memref<64xi32, #tpu.memory_space<hbm>>
        tpu.enqueue_dma source(%dma_start3A_222 : memref<64xi32, #tpu.memory_space<hbm>>) target(%dma_start3A_221 : memref<64xi32, #tpu.memory_space<vmem>>) target_semaphore(%run_scoped3A : memref<!tpu.dma_semaphore, #tpu.memory_space<semaphore_mem>>)
        %dma_wait3A_223 = arith.constant 128 : i32
        %dma_wait3A_224 = tpu.memref_slice %arg7[%dma_wait3A_223] : memref<256xi32, #tpu.memory_space<vmem>> -> memref<64xi32, #tpu.memory_space<vmem>>
        %dma_wait3A_225 = tpu.memref_slice %arg3[%add3A_74] : memref<802816xi32, #tpu.memory_space<hbm>> -> memref<64xi32, #tpu.memory_space<hbm>>
        %dma_wait3A_226 = arith.constant 128 : i32
        %dma_wait3A_227 = tpu.memref_slice %arg7[%dma_wait3A_226] : memref<256xi32, #tpu.memory_space<vmem>> -> memref<64xi32, #tpu.memory_space<vmem>>
        %dma_wait3A_228 = tpu.memref_slice %arg3[%add3A_74] : memref<802816xi32, #tpu.memory_space<hbm>> -> memref<64xi32, #tpu.memory_space<hbm>>
        tpu.wait_dma2 semaphore(%run_scoped3A : memref<!tpu.dma_semaphore, #tpu.memory_space<semaphore_mem>>) src(%dma_wait3A_228 : memref<64xi32, #tpu.memory_space<hbm>>) dst(%dma_wait3A_227 : memref<64xi32, #tpu.memory_space<vmem>>)
        tpu.yield
      }) : () -> ()
      %add3A_75 = arith.constant 602112 : i32
      %add3A_76 = arith.addi %add3A_75, %add3A_68 : i32
      "tpu.region"() ({
        %run_scoped3A = tpu.sem_alloc : memref<!tpu.dma_semaphore, #tpu.memory_space<semaphore_mem>>
        %dma_start3A_217 = arith.constant 192 : i32
        %dma_start3A_218 = tpu.memref_slice %arg7[%dma_start3A_217] : memref<256xi32, #tpu.memory_space<vmem>> -> memref<64xi32, #tpu.memory_space<vmem>>
        %dma_start3A_219 = tpu.memref_slice %arg3[%add3A_76] : memref<802816xi32, #tpu.memory_space<hbm>> -> memref<64xi32, #tpu.memory_space<hbm>>
        %dma_start3A_220 = arith.constant 192 : i32
        %dma_start3A_221 = tpu.memref_slice %arg7[%dma_start3A_220] : memref<256xi32, #tpu.memory_space<vmem>> -> memref<64xi32, #tpu.memory_space<vmem>>
        %dma_start3A_222 = tpu.memref_slice %arg3[%add3A_76] : memref<802816xi32, #tpu.memory_space<hbm>> -> memref<64xi32, #tpu.memory_space<hbm>>
        tpu.enqueue_dma source(%dma_start3A_222 : memref<64xi32, #tpu.memory_space<hbm>>) target(%dma_start3A_221 : memref<64xi32, #tpu.memory_space<vmem>>) target_semaphore(%run_scoped3A : memref<!tpu.dma_semaphore, #tpu.memory_space<semaphore_mem>>)
        %dma_wait3A_223 = arith.constant 192 : i32
        %dma_wait3A_224 = tpu.memref_slice %arg7[%dma_wait3A_223] : memref<256xi32, #tpu.memory_space<vmem>> -> memref<64xi32, #tpu.memory_space<vmem>>
        %dma_wait3A_225 = tpu.memref_slice %arg3[%add3A_76] : memref<802816xi32, #tpu.memory_space<hbm>> -> memref<64xi32, #tpu.memory_space<hbm>>
        %dma_wait3A_226 = arith.constant 192 : i32
        %dma_wait3A_227 = tpu.memref_slice %arg7[%dma_wait3A_226] : memref<256xi32, #tpu.memory_space<vmem>> -> memref<64xi32, #tpu.memory_space<vmem>>
        %dma_wait3A_228 = tpu.memref_slice %arg3[%add3A_76] : memref<802816xi32, #tpu.memory_space<hbm>> -> memref<64xi32, #tpu.memory_space<hbm>>
        tpu.wait_dma2 semaphore(%run_scoped3A : memref<!tpu.dma_semaphore, #tpu.memory_space<semaphore_mem>>) src(%dma_wait3A_228 : memref<64xi32, #tpu.memory_space<hbm>>) dst(%dma_wait3A_227 : memref<64xi32, #tpu.memory_space<vmem>>)
        tpu.yield
      }) : () -> ()
      %mul3A_77 = arith.constant 4 : i32
      %mul3A_78 = arith.muli %add3A_68, %mul3A_77 : i32
      "tpu.region"() ({
        %run_scoped3A = tpu.sem_alloc : memref<!tpu.dma_semaphore, #tpu.memory_space<semaphore_mem>>
        %dma_start3A_217 = arith.constant 0 : i32
        %dma_start3A_218 = tpu.memref_slice %arg9[%dma_start3A_217] : memref<272xf32, #tpu.memory_space<vmem>> -> memref<256xf32, #tpu.memory_space<vmem>>
        %dma_start3A_219 = tpu.memref_slice %arg4[%mul3A_78] : memref<802816xf32, #tpu.memory_space<hbm>> -> memref<256xf32, #tpu.memory_space<hbm>>
        %dma_start3A_220 = arith.constant 0 : i32
        %dma_start3A_221 = tpu.memref_slice %arg9[%dma_start3A_220] : memref<272xf32, #tpu.memory_space<vmem>> -> memref<256xf32, #tpu.memory_space<vmem>>
        %dma_start3A_222 = tpu.memref_slice %arg4[%mul3A_78] : memref<802816xf32, #tpu.memory_space<hbm>> -> memref<256xf32, #tpu.memory_space<hbm>>
        tpu.enqueue_dma source(%dma_start3A_222 : memref<256xf32, #tpu.memory_space<hbm>>) target(%dma_start3A_221 : memref<256xf32, #tpu.memory_space<vmem>>) target_semaphore(%run_scoped3A : memref<!tpu.dma_semaphore, #tpu.memory_space<semaphore_mem>>)
        %dma_wait3A_223 = arith.constant 0 : i32
        %dma_wait3A_224 = tpu.memref_slice %arg9[%dma_wait3A_223] : memref<272xf32, #tpu.memory_space<vmem>> -> memref<256xf32, #tpu.memory_space<vmem>>
        %dma_wait3A_225 = tpu.memref_slice %arg4[%mul3A_78] : memref<802816xf32, #tpu.memory_space<hbm>> -> memref<256xf32, #tpu.memory_space<hbm>>
        %dma_wait3A_226 = arith.constant 0 : i32
        %dma_wait3A_227 = tpu.memref_slice %arg9[%dma_wait3A_226] : memref<272xf32, #tpu.memory_space<vmem>> -> memref<256xf32, #tpu.memory_space<vmem>>
        %dma_wait3A_228 = tpu.memref_slice %arg4[%mul3A_78] : memref<802816xf32, #tpu.memory_space<hbm>> -> memref<256xf32, #tpu.memory_space<hbm>>
        tpu.wait_dma2 semaphore(%run_scoped3A : memref<!tpu.dma_semaphore, #tpu.memory_space<semaphore_mem>>) src(%dma_wait3A_228 : memref<256xf32, #tpu.memory_space<hbm>>) dst(%dma_wait3A_227 : memref<256xf32, #tpu.memory_space<vmem>>)
        tpu.yield
      }) : () -> ()
      %dma_start3A_79 = arith.constant 0 : i32
      %dma_start3A_80 = arith.constant 0 : i32
      %dma_start3A_81 = arith.constant 0 : i32
      %dma_start3A_82 = tpu.memref_slice %arg11[%dma_start3A_79, %dma_start3A_80, %dma_start3A_81] : memref<4x64x128xf32, #tpu.memory_space<vmem>> -> memref<1x64x128xf32, #tpu.memory_space<vmem>>
      %dma_start3A_83 = tpu.memref_squeeze %dma_start3A_82 : memref<1x64x128xf32, #tpu.memory_space<vmem>> -> memref<64x128xf32, #tpu.memory_space<vmem>>
      %dma_start3A_84 = arith.constant 0 : i32
      %dma_start3A_85 = tpu.memref_slice %arg7[%dma_start3A_84] : memref<256xi32, #tpu.memory_space<vmem>> -> memref<64xi32, #tpu.memory_space<vmem>>
      %dma_start3A_86 = arith.constant 0 : i32
      %dma_start3A_87 = arith.constant 0 : i32
      %dma_start3A_88 = tpu.memref_slice %arg2[%dma_start3A_86, %dma_start3A_87] : memref<200704x128xf32, #tpu.memory_space<hbm>> -> memref<200704x128xf32, #tpu.memory_space<hbm>>
      tpu.enqueue_indirect_dma source(%dma_start3A_88 : memref<200704x128xf32, #tpu.memory_space<hbm>>) target(%dma_start3A_83 : memref<64x128xf32, #tpu.memory_space<vmem>>) offsets(%dma_start3A_85 : memref<64xi32, #tpu.memory_space<vmem>>) semaphore(%arg15 : memref<!tpu.dma_semaphore, #tpu.memory_space<semaphore_mem>>)
      %dma_start3A_89 = arith.constant 1 : i32
      %dma_start3A_90 = arith.constant 0 : i32
      %dma_start3A_91 = arith.constant 0 : i32
      %dma_start3A_92 = tpu.memref_slice %arg11[%dma_start3A_89, %dma_start3A_90, %dma_start3A_91] : memref<4x64x128xf32, #tpu.memory_space<vmem>> -> memref<1x64x128xf32, #tpu.memory_space<vmem>>
      %dma_start3A_93 = tpu.memref_squeeze %dma_start3A_92 : memref<1x64x128xf32, #tpu.memory_space<vmem>> -> memref<64x128xf32, #tpu.memory_space<vmem>>
      %dma_start3A_94 = arith.constant 64 : i32
      %dma_start3A_95 = tpu.memref_slice %arg7[%dma_start3A_94] : memref<256xi32, #tpu.memory_space<vmem>> -> memref<64xi32, #tpu.memory_space<vmem>>
      %dma_start3A_96 = arith.constant 0 : i32
      %dma_start3A_97 = arith.constant 0 : i32
      %dma_start3A_98 = tpu.memref_slice %arg2[%dma_start3A_96, %dma_start3A_97] : memref<200704x128xf32, #tpu.memory_space<hbm>> -> memref<200704x128xf32, #tpu.memory_space<hbm>>
      tpu.enqueue_indirect_dma source(%dma_start3A_98 : memref<200704x128xf32, #tpu.memory_space<hbm>>) target(%dma_start3A_93 : memref<64x128xf32, #tpu.memory_space<vmem>>) offsets(%dma_start3A_95 : memref<64xi32, #tpu.memory_space<vmem>>) semaphore(%arg15 : memref<!tpu.dma_semaphore, #tpu.memory_space<semaphore_mem>>)
      %dma_start3A_99 = arith.constant 2 : i32
      %dma_start3A_100 = arith.constant 0 : i32
      %dma_start3A_101 = arith.constant 0 : i32
      %dma_start3A_102 = tpu.memref_slice %arg11[%dma_start3A_99, %dma_start3A_100, %dma_start3A_101] : memref<4x64x128xf32, #tpu.memory_space<vmem>> -> memref<1x64x128xf32, #tpu.memory_space<vmem>>
      %dma_start3A_103 = tpu.memref_squeeze %dma_start3A_102 : memref<1x64x128xf32, #tpu.memory_space<vmem>> -> memref<64x128xf32, #tpu.memory_space<vmem>>
      %dma_start3A_104 = arith.constant 128 : i32
      %dma_start3A_105 = tpu.memref_slice %arg7[%dma_start3A_104] : memref<256xi32, #tpu.memory_space<vmem>> -> memref<64xi32, #tpu.memory_space<vmem>>
      %dma_start3A_106 = arith.constant 0 : i32
      %dma_start3A_107 = arith.constant 0 : i32
      %dma_start3A_108 = tpu.memref_slice %arg2[%dma_start3A_106, %dma_start3A_107] : memref<200704x128xf32, #tpu.memory_space<hbm>> -> memref<200704x128xf32, #tpu.memory_space<hbm>>
      tpu.enqueue_indirect_dma source(%dma_start3A_108 : memref<200704x128xf32, #tpu.memory_space<hbm>>) target(%dma_start3A_103 : memref<64x128xf32, #tpu.memory_space<vmem>>) offsets(%dma_start3A_105 : memref<64xi32, #tpu.memory_space<vmem>>) semaphore(%arg15 : memref<!tpu.dma_semaphore, #tpu.memory_space<semaphore_mem>>)
      %dma_start3A_109 = arith.constant 3 : i32
      %dma_start3A_110 = arith.constant 0 : i32
      %dma_start3A_111 = arith.constant 0 : i32
      %dma_start3A_112 = tpu.memref_slice %arg11[%dma_start3A_109, %dma_start3A_110, %dma_start3A_111] : memref<4x64x128xf32, #tpu.memory_space<vmem>> -> memref<1x64x128xf32, #tpu.memory_space<vmem>>
      %dma_start3A_113 = tpu.memref_squeeze %dma_start3A_112 : memref<1x64x128xf32, #tpu.memory_space<vmem>> -> memref<64x128xf32, #tpu.memory_space<vmem>>
      %dma_start3A_114 = arith.constant 192 : i32
      %dma_start3A_115 = tpu.memref_slice %arg7[%dma_start3A_114] : memref<256xi32, #tpu.memory_space<vmem>> -> memref<64xi32, #tpu.memory_space<vmem>>
      %dma_start3A_116 = arith.constant 0 : i32
      %dma_start3A_117 = arith.constant 0 : i32
      %dma_start3A_118 = tpu.memref_slice %arg2[%dma_start3A_116, %dma_start3A_117] : memref<200704x128xf32, #tpu.memory_space<hbm>> -> memref<200704x128xf32, #tpu.memory_space<hbm>>
      tpu.enqueue_indirect_dma source(%dma_start3A_118 : memref<200704x128xf32, #tpu.memory_space<hbm>>) target(%dma_start3A_113 : memref<64x128xf32, #tpu.memory_space<vmem>>) offsets(%dma_start3A_115 : memref<64xi32, #tpu.memory_space<vmem>>) semaphore(%arg15 : memref<!tpu.dma_semaphore, #tpu.memory_space<semaphore_mem>>)
      %mul3A_119 = arith.constant 6272 : i32
      %mul3A_120 = arith.muli %add3A, %mul3A_119 : i32
      %mul3A_121 = arith.constant 64 : i32
      %mul3A_122 = arith.muli %mul3A_61, %mul3A_121 : i32
      %add3A_123 = arith.addi %mul3A_120, %mul3A_122 : i32
      %dma_wait3A = arith.constant 0 : i32
      %dma_wait3A_124 = arith.constant 0 : i32
      %dma_wait3A_125 = arith.constant 0 : i32
      %dma_wait3A_126 = tpu.memref_slice %arg10[%dma_wait3A, %dma_wait3A_124, %dma_wait3A_125] : memref<4x64x128xf32, #tpu.memory_space<vmem>> -> memref<1x64x128xf32, #tpu.memory_space<vmem>>
      %dma_wait3A_127 = tpu.memref_squeeze %dma_wait3A_126 : memref<1x64x128xf32, #tpu.memory_space<vmem>> -> memref<64x128xf32, #tpu.memory_space<vmem>>
      %dma_wait3A_128 = arith.constant 0 : i32
      %dma_wait3A_129 = tpu.memref_slice %arg6[%dma_wait3A_128] : memref<256xi32, #tpu.memory_space<vmem>> -> memref<64xi32, #tpu.memory_space<vmem>>
      %dma_wait3A_130 = arith.constant 0 : i32
      %dma_wait3A_131 = arith.constant 0 : i32
      %dma_wait3A_132 = tpu.memref_slice %arg2[%dma_wait3A_130, %dma_wait3A_131] : memref<200704x128xf32, #tpu.memory_space<hbm>> -> memref<200704x128xf32, #tpu.memory_space<hbm>>
      tpu.wait_indirect_dma semaphore(%arg14 : memref<!tpu.dma_semaphore, #tpu.memory_space<semaphore_mem>>) src(%dma_wait3A_132 : memref<200704x128xf32, #tpu.memory_space<hbm>>) dst(%dma_wait3A_127 : memref<64x128xf32, #tpu.memory_space<vmem>>)
      %dma_wait3A_133 = arith.constant 1 : i32
      %dma_wait3A_134 = arith.constant 0 : i32
      %dma_wait3A_135 = arith.constant 0 : i32
      %dma_wait3A_136 = tpu.memref_slice %arg10[%dma_wait3A_133, %dma_wait3A_134, %dma_wait3A_135] : memref<4x64x128xf32, #tpu.memory_space<vmem>> -> memref<1x64x128xf32, #tpu.memory_space<vmem>>
      %dma_wait3A_137 = tpu.memref_squeeze %dma_wait3A_136 : memref<1x64x128xf32, #tpu.memory_space<vmem>> -> memref<64x128xf32, #tpu.memory_space<vmem>>
      %dma_wait3A_138 = arith.constant 64 : i32
      %dma_wait3A_139 = tpu.memref_slice %arg6[%dma_wait3A_138] : memref<256xi32, #tpu.memory_space<vmem>> -> memref<64xi32, #tpu.memory_space<vmem>>
      %dma_wait3A_140 = arith.constant 0 : i32
      %dma_wait3A_141 = arith.constant 0 : i32
      %dma_wait3A_142 = tpu.memref_slice %arg2[%dma_wait3A_140, %dma_wait3A_141] : memref<200704x128xf32, #tpu.memory_space<hbm>> -> memref<200704x128xf32, #tpu.memory_space<hbm>>
      tpu.wait_indirect_dma semaphore(%arg14 : memref<!tpu.dma_semaphore, #tpu.memory_space<semaphore_mem>>) src(%dma_wait3A_142 : memref<200704x128xf32, #tpu.memory_space<hbm>>) dst(%dma_wait3A_137 : memref<64x128xf32, #tpu.memory_space<vmem>>)
      %dma_wait3A_143 = arith.constant 2 : i32
      %dma_wait3A_144 = arith.constant 0 : i32
      %dma_wait3A_145 = arith.constant 0 : i32
      %dma_wait3A_146 = tpu.memref_slice %arg10[%dma_wait3A_143, %dma_wait3A_144, %dma_wait3A_145] : memref<4x64x128xf32, #tpu.memory_space<vmem>> -> memref<1x64x128xf32, #tpu.memory_space<vmem>>
      %dma_wait3A_147 = tpu.memref_squeeze %dma_wait3A_146 : memref<1x64x128xf32, #tpu.memory_space<vmem>> -> memref<64x128xf32, #tpu.memory_space<vmem>>
      %dma_wait3A_148 = arith.constant 128 : i32
      %dma_wait3A_149 = tpu.memref_slice %arg6[%dma_wait3A_148] : memref<256xi32, #tpu.memory_space<vmem>> -> memref<64xi32, #tpu.memory_space<vmem>>
      %dma_wait3A_150 = arith.constant 0 : i32
      %dma_wait3A_151 = arith.constant 0 : i32
      %dma_wait3A_152 = tpu.memref_slice %arg2[%dma_wait3A_150, %dma_wait3A_151] : memref<200704x128xf32, #tpu.memory_space<hbm>> -> memref<200704x128xf32, #tpu.memory_space<hbm>>
      tpu.wait_indirect_dma semaphore(%arg14 : memref<!tpu.dma_semaphore, #tpu.memory_space<semaphore_mem>>) src(%dma_wait3A_152 : memref<200704x128xf32, #tpu.memory_space<hbm>>) dst(%dma_wait3A_147 : memref<64x128xf32, #tpu.memory_space<vmem>>)
      %dma_wait3A_153 = arith.constant 3 : i32
      %dma_wait3A_154 = arith.constant 0 : i32
      %dma_wait3A_155 = arith.constant 0 : i32
      %dma_wait3A_156 = tpu.memref_slice %arg10[%dma_wait3A_153, %dma_wait3A_154, %dma_wait3A_155] : memref<4x64x128xf32, #tpu.memory_space<vmem>> -> memref<1x64x128xf32, #tpu.memory_space<vmem>>
      %dma_wait3A_157 = tpu.memref_squeeze %dma_wait3A_156 : memref<1x64x128xf32, #tpu.memory_space<vmem>> -> memref<64x128xf32, #tpu.memory_space<vmem>>
      %dma_wait3A_158 = arith.constant 192 : i32
      %dma_wait3A_159 = tpu.memref_slice %arg6[%dma_wait3A_158] : memref<256xi32, #tpu.memory_space<vmem>> -> memref<64xi32, #tpu.memory_space<vmem>>
      %dma_wait3A_160 = arith.constant 0 : i32
      %dma_wait3A_161 = arith.constant 0 : i32
      %dma_wait3A_162 = tpu.memref_slice %arg2[%dma_wait3A_160, %dma_wait3A_161] : memref<200704x128xf32, #tpu.memory_space<hbm>> -> memref<200704x128xf32, #tpu.memory_space<hbm>>
      tpu.wait_indirect_dma semaphore(%arg14 : memref<!tpu.dma_semaphore, #tpu.memory_space<semaphore_mem>>) src(%dma_wait3A_162 : memref<200704x128xf32, #tpu.memory_space<hbm>>) dst(%dma_wait3A_157 : memref<64x128xf32, #tpu.memory_space<vmem>>)
      %parallel_loop3A = arith.constant 0 : i32
      %parallel_loop3A_163 = arith.constant 64 : i32
      %parallel_loop3A_164 = arith.constant 1 : i32
      scf.for %parallel_loop3A_217 = %parallel_loop3A to %parallel_loop3A_163 step %parallel_loop3A_164  : i32 {
        %parallel_loop3A_218 = arith.constant 4 : i32
        %parallel_loop3A_219 = arith.muli %parallel_loop3A_217, %parallel_loop3A_218 : i32
        %parallel_loop3A_220 = arith.index_cast %parallel_loop3A_219 : i32 to index
        %parallel_loop3A_221 = tpu.vector_load %arg8[%parallel_loop3A_220] {strides = array<i32>} : memref<272xf32, #tpu.memory_space<vmem>>, vector<16xf32>,
        %parallel_loop3A_222 = vector.shape_cast %parallel_loop3A_221 : vector<16xf32> to vector<16xf32>
        %parallel_loop3A_223 = vector.extract_strided_slice %parallel_loop3A_222 {offsets = [0], sizes = [1], strides = [1]} : vector<16xf32> to vector<1xf32>
        %parallel_loop3A_224 = vector.extract %parallel_loop3A_223[0] : f32 from vector<1xf32>
        %parallel_loop3A_225 = vector.extract_strided_slice %parallel_loop3A_222 {offsets = [1], sizes = [1], strides = [1]} : vector<16xf32> to vector<1xf32>
        %parallel_loop3A_226 = vector.extract %parallel_loop3A_225[0] : f32 from vector<1xf32>
        %parallel_loop3A_227 = vector.extract_strided_slice %parallel_loop3A_222 {offsets = [2], sizes = [1], strides = [1]} : vector<16xf32> to vector<1xf32>
        %parallel_loop3A_228 = vector.extract %parallel_loop3A_227[0] : f32 from vector<1xf32>
        %parallel_loop3A_229 = vector.extract_strided_slice %parallel_loop3A_222 {offsets = [3], sizes = [1], strides = [1]} : vector<16xf32> to vector<1xf32>
        %parallel_loop3A_230 = vector.extract %parallel_loop3A_229[0] : f32 from vector<1xf32>
        %parallel_loop3A_231 = arith.constant 0 : i32
        %parallel_loop3A_232 = arith.index_cast %parallel_loop3A_231 : i32 to index
        %parallel_loop3A_233 = arith.index_cast %parallel_loop3A_217 : i32 to index
        %parallel_loop3A_234 = arith.constant 0 : index
        %parallel_loop3A_235 = tpu.vector_load %arg10[%parallel_loop3A_232, %parallel_loop3A_233, %parallel_loop3A_234] {strides = array<i32>} : memref<4x64x128xf32, #tpu.memory_space<vmem>>, vector<1x1x16xf32>,
        %parallel_loop3A_236 = vector.shape_cast %parallel_loop3A_235 : vector<1x1x16xf32> to vector<16xf32>
        %parallel_loop3A_237 = vector.broadcast %parallel_loop3A_224 : f32 to vector<16xf32>
        %parallel_loop3A_238 = arith.mulf %parallel_loop3A_236, %parallel_loop3A_237 : vector<16xf32>
        %parallel_loop3A_239 = arith.constant 1 : i32
        %parallel_loop3A_240 = arith.index_cast %parallel_loop3A_239 : i32 to index
        %parallel_loop3A_241 = arith.index_cast %parallel_loop3A_217 : i32 to index
        %parallel_loop3A_242 = arith.constant 0 : index
        %parallel_loop3A_243 = tpu.vector_load %arg10[%parallel_loop3A_240, %parallel_loop3A_241, %parallel_loop3A_242] {strides = array<i32>} : memref<4x64x128xf32, #tpu.memory_space<vmem>>, vector<1x1x16xf32>,
        %parallel_loop3A_244 = vector.shape_cast %parallel_loop3A_243 : vector<1x1x16xf32> to vector<16xf32>
        %parallel_loop3A_245 = vector.broadcast %parallel_loop3A_226 : f32 to vector<16xf32>
        %parallel_loop3A_246 = arith.mulf %parallel_loop3A_244, %parallel_loop3A_245 : vector<16xf32>
        %parallel_loop3A_247 = arith.addf %parallel_loop3A_238, %parallel_loop3A_246 : vector<16xf32>
        %parallel_loop3A_248 = arith.constant 2 : i32
        %parallel_loop3A_249 = arith.index_cast %parallel_loop3A_248 : i32 to index
        %parallel_loop3A_250 = arith.index_cast %parallel_loop3A_217 : i32 to index
        %parallel_loop3A_251 = arith.constant 0 : index
        %parallel_loop3A_252 = tpu.vector_load %arg10[%parallel_loop3A_249, %parallel_loop3A_250, %parallel_loop3A_251] {strides = array<i32>} : memref<4x64x128xf32, #tpu.memory_space<vmem>>, vector<1x1x16xf32>,
        %parallel_loop3A_253 = vector.shape_cast %parallel_loop3A_252 : vector<1x1x16xf32> to vector<16xf32>
        %parallel_loop3A_254 = vector.broadcast %parallel_loop3A_228 : f32 to vector<16xf32>
        %parallel_loop3A_255 = arith.mulf %parallel_loop3A_253, %parallel_loop3A_254 : vector<16xf32>
        %parallel_loop3A_256 = arith.addf %parallel_loop3A_247, %parallel_loop3A_255 : vector<16xf32>
        %parallel_loop3A_257 = arith.constant 3 : i32
        %parallel_loop3A_258 = arith.index_cast %parallel_loop3A_257 : i32 to index
        %parallel_loop3A_259 = arith.index_cast %parallel_loop3A_217 : i32 to index
        %parallel_loop3A_260 = arith.constant 0 : index
        %parallel_loop3A_261 = tpu.vector_load %arg10[%parallel_loop3A_258, %parallel_loop3A_259, %parallel_loop3A_260] {strides = array<i32>} : memref<4x64x128xf32, #tpu.memory_space<vmem>>, vector<1x1x16xf32>,
        %parallel_loop3A_262 = vector.shape_cast %parallel_loop3A_261 : vector<1x1x16xf32> to vector<16xf32>
        %parallel_loop3A_263 = vector.broadcast %parallel_loop3A_230 : f32 to vector<16xf32>
        %parallel_loop3A_264 = arith.mulf %parallel_loop3A_262, %parallel_loop3A_263 : vector<16xf32>
        %parallel_loop3A_265 = arith.addf %parallel_loop3A_256, %parallel_loop3A_264 : vector<16xf32>
        %parallel_loop3A_266 = arith.index_cast %parallel_loop3A_217 : i32 to index
        %parallel_loop3A_267 = arith.constant 0 : index
        %parallel_loop3A_268 = tpu.vector_load %arg12[%parallel_loop3A_266, %parallel_loop3A_267] {strides = array<i32>} : memref<64x128xf32, #tpu.memory_space<vmem>>, vector<1x16xf32>,
        %parallel_loop3A_269 = vector.shape_cast %parallel_loop3A_268 : vector<1x16xf32> to vector<16xf32>
        %parallel_loop3A_270 = vector.shape_cast %parallel_loop3A_265 : vector<16xf32> to vector<1x16xf32>
        tpu.vector_store %arg12[%parallel_loop3A_266, %parallel_loop3A_267], %parallel_loop3A_270 {strides = array<i32>} : memref<64x128xf32, #tpu.memory_space<vmem>>, vector<1x16xf32>,
        %parallel_loop3A_271 = arith.constant 0 : i32
        %parallel_loop3A_272 = arith.index_cast %parallel_loop3A_271 : i32 to index
        %parallel_loop3A_273 = arith.index_cast %parallel_loop3A_217 : i32 to index
        %parallel_loop3A_274 = arith.constant 16 : index
        %parallel_loop3A_275 = tpu.vector_load %arg10[%parallel_loop3A_272, %parallel_loop3A_273, %parallel_loop3A_274] {strides = array<i32>} : memref<4x64x128xf32, #tpu.memory_space<vmem>>, vector<1x1x16xf32>,
        %parallel_loop3A_276 = vector.shape_cast %parallel_loop3A_275 : vector<1x1x16xf32> to vector<16xf32>
        %parallel_loop3A_277 = vector.broadcast %parallel_loop3A_224 : f32 to vector<16xf32>
        %parallel_loop3A_278 = arith.mulf %parallel_loop3A_276, %parallel_loop3A_277 : vector<16xf32>
        %parallel_loop3A_279 = arith.constant 1 : i32
        %parallel_loop3A_280 = arith.index_cast %parallel_loop3A_279 : i32 to index
        %parallel_loop3A_281 = arith.index_cast %parallel_loop3A_217 : i32 to index
        %parallel_loop3A_282 = arith.constant 16 : index
        %parallel_loop3A_283 = tpu.vector_load %arg10[%parallel_loop3A_280, %parallel_loop3A_281, %parallel_loop3A_282] {strides = array<i32>} : memref<4x64x128xf32, #tpu.memory_space<vmem>>, vector<1x1x16xf32>,
        %parallel_loop3A_284 = vector.shape_cast %parallel_loop3A_283 : vector<1x1x16xf32> to vector<16xf32>
        %parallel_loop3A_285 = vector.broadcast %parallel_loop3A_226 : f32 to vector<16xf32>
        %parallel_loop3A_286 = arith.mulf %parallel_loop3A_284, %parallel_loop3A_285 : vector<16xf32>
        %parallel_loop3A_287 = arith.addf %parallel_loop3A_278, %parallel_loop3A_286 : vector<16xf32>
        %parallel_loop3A_288 = arith.constant 2 : i32
        %parallel_loop3A_289 = arith.index_cast %parallel_loop3A_288 : i32 to index
        %parallel_loop3A_290 = arith.index_cast %parallel_loop3A_217 : i32 to index
        %parallel_loop3A_291 = arith.constant 16 : index
        %parallel_loop3A_292 = tpu.vector_load %arg10[%parallel_loop3A_289, %parallel_loop3A_290, %parallel_loop3A_291] {strides = array<i32>} : memref<4x64x128xf32, #tpu.memory_space<vmem>>, vector<1x1x16xf32>,
        %parallel_loop3A_293 = vector.shape_cast %parallel_loop3A_292 : vector<1x1x16xf32> to vector<16xf32>
        %parallel_loop3A_294 = vector.broadcast %parallel_loop3A_228 : f32 to vector<16xf32>
        %parallel_loop3A_295 = arith.mulf %parallel_loop3A_293, %parallel_loop3A_294 : vector<16xf32>
        %parallel_loop3A_296 = arith.addf %parallel_loop3A_287, %parallel_loop3A_295 : vector<16xf32>
        %parallel_loop3A_297 = arith.constant 3 : i32
        %parallel_loop3A_298 = arith.index_cast %parallel_loop3A_297 : i32 to index
        %parallel_loop3A_299 = arith.index_cast %parallel_loop3A_217 : i32 to index
        %parallel_loop3A_300 = arith.constant 16 : index
        %parallel_loop3A_301 = tpu.vector_load %arg10[%parallel_loop3A_298, %parallel_loop3A_299, %parallel_loop3A_300] {strides = array<i32>} : memref<4x64x128xf32, #tpu.memory_space<vmem>>, vector<1x1x16xf32>,
        %parallel_loop3A_302 = vector.shape_cast %parallel_loop3A_301 : vector<1x1x16xf32> to vector<16xf32>
        %parallel_loop3A_303 = vector.broadcast %parallel_loop3A_230 : f32 to vector<16xf32>
        %parallel_loop3A_304 = arith.mulf %parallel_loop3A_302, %parallel_loop3A_303 : vector<16xf32>
        %parallel_loop3A_305 = arith.addf %parallel_loop3A_296, %parallel_loop3A_304 : vector<16xf32>
        %parallel_loop3A_306 = arith.index_cast %parallel_loop3A_217 : i32 to index
        %parallel_loop3A_307 = arith.constant 16 : index
        %parallel_loop3A_308 = tpu.vector_load %arg12[%parallel_loop3A_306, %parallel_loop3A_307] {strides = array<i32>} : memref<64x128xf32, #tpu.memory_space<vmem>>, vector<1x16xf32>,
        %parallel_loop3A_309 = vector.shape_cast %parallel_loop3A_308 : vector<1x16xf32> to vector<16xf32>
        %parallel_loop3A_310 = vector.shape_cast %parallel_loop3A_305 : vector<16xf32> to vector<1x16xf32>
        tpu.vector_store %arg12[%parallel_loop3A_306, %parallel_loop3A_307], %parallel_loop3A_310 {strides = array<i32>} : memref<64x128xf32, #tpu.memory_space<vmem>>, vector<1x16xf32>,
        %parallel_loop3A_311 = arith.constant 0 : i32
        %parallel_loop3A_312 = arith.index_cast %parallel_loop3A_311 : i32 to index
        %parallel_loop3A_313 = arith.index_cast %parallel_loop3A_217 : i32 to index
        %parallel_loop3A_314 = arith.constant 32 : index
        %parallel_loop3A_315 = tpu.vector_load %arg10[%parallel_loop3A_312, %parallel_loop3A_313, %parallel_loop3A_314] {strides = array<i32>} : memref<4x64x128xf32, #tpu.memory_space<vmem>>, vector<1x1x16xf32>,
        %parallel_loop3A_316 = vector.shape_cast %parallel_loop3A_315 : vector<1x1x16xf32> to vector<16xf32>
        %parallel_loop3A_317 = vector.broadcast %parallel_loop3A_224 : f32 to vector<16xf32>
        %parallel_loop3A_318 = arith.mulf %parallel_loop3A_316, %parallel_loop3A_317 : vector<16xf32>
        %parallel_loop3A_319 = arith.constant 1 : i32
        %parallel_loop3A_320 = arith.index_cast %parallel_loop3A_319 : i32 to index
        %parallel_loop3A_321 = arith.index_cast %parallel_loop3A_217 : i32 to index
        %parallel_loop3A_322 = arith.constant 32 : index
        %parallel_loop3A_323 = tpu.vector_load %arg10[%parallel_loop3A_320, %parallel_loop3A_321, %parallel_loop3A_322] {strides = array<i32>} : memref<4x64x128xf32, #tpu.memory_space<vmem>>, vector<1x1x16xf32>,
        %parallel_loop3A_324 = vector.shape_cast %parallel_loop3A_323 : vector<1x1x16xf32> to vector<16xf32>
        %parallel_loop3A_325 = vector.broadcast %parallel_loop3A_226 : f32 to vector<16xf32>
        %parallel_loop3A_326 = arith.mulf %parallel_loop3A_324, %parallel_loop3A_325 : vector<16xf32>
        %parallel_loop3A_327 = arith.addf %parallel_loop3A_318, %parallel_loop3A_326 : vector<16xf32>
        %parallel_loop3A_328 = arith.constant 2 : i32
        %parallel_loop3A_329 = arith.index_cast %parallel_loop3A_328 : i32 to index
        %parallel_loop3A_330 = arith.index_cast %parallel_loop3A_217 : i32 to index
        %parallel_loop3A_331 = arith.constant 32 : index
        %parallel_loop3A_332 = tpu.vector_load %arg10[%parallel_loop3A_329, %parallel_loop3A_330, %parallel_loop3A_331] {strides = array<i32>} : memref<4x64x128xf32, #tpu.memory_space<vmem>>, vector<1x1x16xf32>,
        %parallel_loop3A_333 = vector.shape_cast %parallel_loop3A_332 : vector<1x1x16xf32> to vector<16xf32>
        %parallel_loop3A_334 = vector.broadcast %parallel_loop3A_228 : f32 to vector<16xf32>
        %parallel_loop3A_335 = arith.mulf %parallel_loop3A_333, %parallel_loop3A_334 : vector<16xf32>
        %parallel_loop3A_336 = arith.addf %parallel_loop3A_327, %parallel_loop3A_335 : vector<16xf32>
        %parallel_loop3A_337 = arith.constant 3 : i32
        %parallel_loop3A_338 = arith.index_cast %parallel_loop3A_337 : i32 to index
        %parallel_loop3A_339 = arith.index_cast %parallel_loop3A_217 : i32 to index
        %parallel_loop3A_340 = arith.constant 32 : index
        %parallel_loop3A_341 = tpu.vector_load %arg10[%parallel_loop3A_338, %parallel_loop3A_339, %parallel_loop3A_340] {strides = array<i32>} : memref<4x64x128xf32, #tpu.memory_space<vmem>>, vector<1x1x16xf32>,
        %parallel_loop3A_342 = vector.shape_cast %parallel_loop3A_341 : vector<1x1x16xf32> to vector<16xf32>
        %parallel_loop3A_343 = vector.broadcast %parallel_loop3A_230 : f32 to vector<16xf32>
        %parallel_loop3A_344 = arith.mulf %parallel_loop3A_342, %parallel_loop3A_343 : vector<16xf32>
        %parallel_loop3A_345 = arith.addf %parallel_loop3A_336, %parallel_loop3A_344 : vector<16xf32>
        %parallel_loop3A_346 = arith.index_cast %parallel_loop3A_217 : i32 to index
        %parallel_loop3A_347 = arith.constant 32 : index
        %parallel_loop3A_348 = tpu.vector_load %arg12[%parallel_loop3A_346, %parallel_loop3A_347] {strides = array<i32>} : memref<64x128xf32, #tpu.memory_space<vmem>>, vector<1x16xf32>,
        %parallel_loop3A_349 = vector.shape_cast %parallel_loop3A_348 : vector<1x16xf32> to vector<16xf32>
        %parallel_loop3A_350 = vector.shape_cast %parallel_loop3A_345 : vector<16xf32> to vector<1x16xf32>
        tpu.vector_store %arg12[%parallel_loop3A_346, %parallel_loop3A_347], %parallel_loop3A_350 {strides = array<i32>} : memref<64x128xf32, #tpu.memory_space<vmem>>, vector<1x16xf32>,
        %parallel_loop3A_351 = arith.constant 0 : i32
        %parallel_loop3A_352 = arith.index_cast %parallel_loop3A_351 : i32 to index
        %parallel_loop3A_353 = arith.index_cast %parallel_loop3A_217 : i32 to index
        %parallel_loop3A_354 = arith.constant 48 : index
        %parallel_loop3A_355 = tpu.vector_load %arg10[%parallel_loop3A_352, %parallel_loop3A_353, %parallel_loop3A_354] {strides = array<i32>} : memref<4x64x128xf32, #tpu.memory_space<vmem>>, vector<1x1x16xf32>,
        %parallel_loop3A_356 = vector.shape_cast %parallel_loop3A_355 : vector<1x1x16xf32> to vector<16xf32>
        %parallel_loop3A_357 = vector.broadcast %parallel_loop3A_224 : f32 to vector<16xf32>
        %parallel_loop3A_358 = arith.mulf %parallel_loop3A_356, %parallel_loop3A_357 : vector<16xf32>
        %parallel_loop3A_359 = arith.constant 1 : i32
        %parallel_loop3A_360 = arith.index_cast %parallel_loop3A_359 : i32 to index
        %parallel_loop3A_361 = arith.index_cast %parallel_loop3A_217 : i32 to index
        %parallel_loop3A_362 = arith.constant 48 : index
        %parallel_loop3A_363 = tpu.vector_load %arg10[%parallel_loop3A_360, %parallel_loop3A_361, %parallel_loop3A_362] {strides = array<i32>} : memref<4x64x128xf32, #tpu.memory_space<vmem>>, vector<1x1x16xf32>,
        %parallel_loop3A_364 = vector.shape_cast %parallel_loop3A_363 : vector<1x1x16xf32> to vector<16xf32>
        %parallel_loop3A_365 = vector.broadcast %parallel_loop3A_226 : f32 to vector<16xf32>
        %parallel_loop3A_366 = arith.mulf %parallel_loop3A_364, %parallel_loop3A_365 : vector<16xf32>
        %parallel_loop3A_367 = arith.addf %parallel_loop3A_358, %parallel_loop3A_366 : vector<16xf32>
        %parallel_loop3A_368 = arith.constant 2 : i32
        %parallel_loop3A_369 = arith.index_cast %parallel_loop3A_368 : i32 to index
        %parallel_loop3A_370 = arith.index_cast %parallel_loop3A_217 : i32 to index
        %parallel_loop3A_371 = arith.constant 48 : index
        %parallel_loop3A_372 = tpu.vector_load %arg10[%parallel_loop3A_369, %parallel_loop3A_370, %parallel_loop3A_371] {strides = array<i32>} : memref<4x64x128xf32, #tpu.memory_space<vmem>>, vector<1x1x16xf32>,
        %parallel_loop3A_373 = vector.shape_cast %parallel_loop3A_372 : vector<1x1x16xf32> to vector<16xf32>
        %parallel_loop3A_374 = vector.broadcast %parallel_loop3A_228 : f32 to vector<16xf32>
        %parallel_loop3A_375 = arith.mulf %parallel_loop3A_373, %parallel_loop3A_374 : vector<16xf32>
        %parallel_loop3A_376 = arith.addf %parallel_loop3A_367, %parallel_loop3A_375 : vector<16xf32>
        %parallel_loop3A_377 = arith.constant 3 : i32
        %parallel_loop3A_378 = arith.index_cast %parallel_loop3A_377 : i32 to index
        %parallel_loop3A_379 = arith.index_cast %parallel_loop3A_217 : i32 to index
        %parallel_loop3A_380 = arith.constant 48 : index
        %parallel_loop3A_381 = tpu.vector_load %arg10[%parallel_loop3A_378, %parallel_loop3A_379, %parallel_loop3A_380] {strides = array<i32>} : memref<4x64x128xf32, #tpu.memory_space<vmem>>, vector<1x1x16xf32>,
        %parallel_loop3A_382 = vector.shape_cast %parallel_loop3A_381 : vector<1x1x16xf32> to vector<16xf32>
        %parallel_loop3A_383 = vector.broadcast %parallel_loop3A_230 : f32 to vector<16xf32>
        %parallel_loop3A_384 = arith.mulf %parallel_loop3A_382, %parallel_loop3A_383 : vector<16xf32>
        %parallel_loop3A_385 = arith.addf %parallel_loop3A_376, %parallel_loop3A_384 : vector<16xf32>
        %parallel_loop3A_386 = arith.index_cast %parallel_loop3A_217 : i32 to index
        %parallel_loop3A_387 = arith.constant 48 : index
        %parallel_loop3A_388 = tpu.vector_load %arg12[%parallel_loop3A_386, %parallel_loop3A_387] {strides = array<i32>} : memref<64x128xf32, #tpu.memory_space<vmem>>, vector<1x16xf32>,
        %parallel_loop3A_389 = vector.shape_cast %parallel_loop3A_388 : vector<1x16xf32> to vector<16xf32>
        %parallel_loop3A_390 = vector.shape_cast %parallel_loop3A_385 : vector<16xf32> to vector<1x16xf32>
        tpu.vector_store %arg12[%parallel_loop3A_386, %parallel_loop3A_387], %parallel_loop3A_390 {strides = array<i32>} : memref<64x128xf32, #tpu.memory_space<vmem>>, vector<1x16xf32>,
        %parallel_loop3A_391 = arith.constant 0 : i32
        %parallel_loop3A_392 = arith.index_cast %parallel_loop3A_391 : i32 to index
        %parallel_loop3A_393 = arith.index_cast %parallel_loop3A_217 : i32 to index
        %parallel_loop3A_394 = arith.constant 64 : index
        %parallel_loop3A_395 = tpu.vector_load %arg10[%parallel_loop3A_392, %parallel_loop3A_393, %parallel_loop3A_394] {strides = array<i32>} : memref<4x64x128xf32, #tpu.memory_space<vmem>>, vector<1x1x16xf32>,
        %parallel_loop3A_396 = vector.shape_cast %parallel_loop3A_395 : vector<1x1x16xf32> to vector<16xf32>
        %parallel_loop3A_397 = vector.broadcast %parallel_loop3A_224 : f32 to vector<16xf32>
        %parallel_loop3A_398 = arith.mulf %parallel_loop3A_396, %parallel_loop3A_397 : vector<16xf32>
        %parallel_loop3A_399 = arith.constant 1 : i32
        %parallel_loop3A_400 = arith.index_cast %parallel_loop3A_399 : i32 to index
        %parallel_loop3A_401 = arith.index_cast %parallel_loop3A_217 : i32 to index
        %parallel_loop3A_402 = arith.constant 64 : index
        %parallel_loop3A_403 = tpu.vector_load %arg10[%parallel_loop3A_400, %parallel_loop3A_401, %parallel_loop3A_402] {strides = array<i32>} : memref<4x64x128xf32, #tpu.memory_space<vmem>>, vector<1x1x16xf32>,
        %parallel_loop3A_404 = vector.shape_cast %parallel_loop3A_403 : vector<1x1x16xf32> to vector<16xf32>
        %parallel_loop3A_405 = vector.broadcast %parallel_loop3A_226 : f32 to vector<16xf32>
        %parallel_loop3A_406 = arith.mulf %parallel_loop3A_404, %parallel_loop3A_405 : vector<16xf32>
        %parallel_loop3A_407 = arith.addf %parallel_loop3A_398, %parallel_loop3A_406 : vector<16xf32>
        %parallel_loop3A_408 = arith.constant 2 : i32
        %parallel_loop3A_409 = arith.index_cast %parallel_loop3A_408 : i32 to index
        %parallel_loop3A_410 = arith.index_cast %parallel_loop3A_217 : i32 to index
        %parallel_loop3A_411 = arith.constant 64 : index
        %parallel_loop3A_412 = tpu.vector_load %arg10[%parallel_loop3A_409, %parallel_loop3A_410, %parallel_loop3A_411] {strides = array<i32>} : memref<4x64x128xf32, #tpu.memory_space<vmem>>, vector<1x1x16xf32>,
        %parallel_loop3A_413 = vector.shape_cast %parallel_loop3A_412 : vector<1x1x16xf32> to vector<16xf32>
        %parallel_loop3A_414 = vector.broadcast %parallel_loop3A_228 : f32 to vector<16xf32>
        %parallel_loop3A_415 = arith.mulf %parallel_loop3A_413, %parallel_loop3A_414 : vector<16xf32>
        %parallel_loop3A_416 = arith.addf %parallel_loop3A_407, %parallel_loop3A_415 : vector<16xf32>
        %parallel_loop3A_417 = arith.constant 3 : i32
        %parallel_loop3A_418 = arith.index_cast %parallel_loop3A_417 : i32 to index
        %parallel_loop3A_419 = arith.index_cast %parallel_loop3A_217 : i32 to index
        %parallel_loop3A_420 = arith.constant 64 : index
        %parallel_loop3A_421 = tpu.vector_load %arg10[%parallel_loop3A_418, %parallel_loop3A_419, %parallel_loop3A_420] {strides = array<i32>} : memref<4x64x128xf32, #tpu.memory_space<vmem>>, vector<1x1x16xf32>,
        %parallel_loop3A_422 = vector.shape_cast %parallel_loop3A_421 : vector<1x1x16xf32> to vector<16xf32>
        %parallel_loop3A_423 = vector.broadcast %parallel_loop3A_230 : f32 to vector<16xf32>
        %parallel_loop3A_424 = arith.mulf %parallel_loop3A_422, %parallel_loop3A_423 : vector<16xf32>
        %parallel_loop3A_425 = arith.addf %parallel_loop3A_416, %parallel_loop3A_424 : vector<16xf32>
        %parallel_loop3A_426 = arith.index_cast %parallel_loop3A_217 : i32 to index
        %parallel_loop3A_427 = arith.constant 64 : index
        %parallel_loop3A_428 = tpu.vector_load %arg12[%parallel_loop3A_426, %parallel_loop3A_427] {strides = array<i32>} : memref<64x128xf32, #tpu.memory_space<vmem>>, vector<1x16xf32>,
        %parallel_loop3A_429 = vector.shape_cast %parallel_loop3A_428 : vector<1x16xf32> to vector<16xf32>
        %parallel_loop3A_430 = vector.shape_cast %parallel_loop3A_425 : vector<16xf32> to vector<1x16xf32>
        tpu.vector_store %arg12[%parallel_loop3A_426, %parallel_loop3A_427], %parallel_loop3A_430 {strides = array<i32>} : memref<64x128xf32, #tpu.memory_space<vmem>>, vector<1x16xf32>,
        %parallel_loop3A_431 = arith.constant 0 : i32
        %parallel_loop3A_432 = arith.index_cast %parallel_loop3A_431 : i32 to index
        %parallel_loop3A_433 = arith.index_cast %parallel_loop3A_217 : i32 to index
        %parallel_loop3A_434 = arith.constant 80 : index
        %parallel_loop3A_435 = tpu.vector_load %arg10[%parallel_loop3A_432, %parallel_loop3A_433, %parallel_loop3A_434] {strides = array<i32>} : memref<4x64x128xf32, #tpu.memory_space<vmem>>, vector<1x1x16xf32>,
        %parallel_loop3A_436 = vector.shape_cast %parallel_loop3A_435 : vector<1x1x16xf32> to vector<16xf32>
        %parallel_loop3A_437 = vector.broadcast %parallel_loop3A_224 : f32 to vector<16xf32>
        %parallel_loop3A_438 = arith.mulf %parallel_loop3A_436, %parallel_loop3A_437 : vector<16xf32>
        %parallel_loop3A_439 = arith.constant 1 : i32
        %parallel_loop3A_440 = arith.index_cast %parallel_loop3A_439 : i32 to index
        %parallel_loop3A_441 = arith.index_cast %parallel_loop3A_217 : i32 to index
        %parallel_loop3A_442 = arith.constant 80 : index
        %parallel_loop3A_443 = tpu.vector_load %arg10[%parallel_loop3A_440, %parallel_loop3A_441, %parallel_loop3A_442] {strides = array<i32>} : memref<4x64x128xf32, #tpu.memory_space<vmem>>, vector<1x1x16xf32>,
        %parallel_loop3A_444 = vector.shape_cast %parallel_loop3A_443 : vector<1x1x16xf32> to vector<16xf32>
        %parallel_loop3A_445 = vector.broadcast %parallel_loop3A_226 : f32 to vector<16xf32>
        %parallel_loop3A_446 = arith.mulf %parallel_loop3A_444, %parallel_loop3A_445 : vector<16xf32>
        %parallel_loop3A_447 = arith.addf %parallel_loop3A_438, %parallel_loop3A_446 : vector<16xf32>
        %parallel_loop3A_448 = arith.constant 2 : i32
        %parallel_loop3A_449 = arith.index_cast %parallel_loop3A_448 : i32 to index
        %parallel_loop3A_450 = arith.index_cast %parallel_loop3A_217 : i32 to index
        %parallel_loop3A_451 = arith.constant 80 : index
        %parallel_loop3A_452 = tpu.vector_load %arg10[%parallel_loop3A_449, %parallel_loop3A_450, %parallel_loop3A_451] {strides = array<i32>} : memref<4x64x128xf32, #tpu.memory_space<vmem>>, vector<1x1x16xf32>,
        %parallel_loop3A_453 = vector.shape_cast %parallel_loop3A_452 : vector<1x1x16xf32> to vector<16xf32>
        %parallel_loop3A_454 = vector.broadcast %parallel_loop3A_228 : f32 to vector<16xf32>
        %parallel_loop3A_455 = arith.mulf %parallel_loop3A_453, %parallel_loop3A_454 : vector<16xf32>
        %parallel_loop3A_456 = arith.addf %parallel_loop3A_447, %parallel_loop3A_455 : vector<16xf32>
        %parallel_loop3A_457 = arith.constant 3 : i32
        %parallel_loop3A_458 = arith.index_cast %parallel_loop3A_457 : i32 to index
        %parallel_loop3A_459 = arith.index_cast %parallel_loop3A_217 : i32 to index
        %parallel_loop3A_460 = arith.constant 80 : index
        %parallel_loop3A_461 = tpu.vector_load %arg10[%parallel_loop3A_458, %parallel_loop3A_459, %parallel_loop3A_460] {strides = array<i32>} : memref<4x64x128xf32, #tpu.memory_space<vmem>>, vector<1x1x16xf32>,
        %parallel_loop3A_462 = vector.shape_cast %parallel_loop3A_461 : vector<1x1x16xf32> to vector<16xf32>
        %parallel_loop3A_463 = vector.broadcast %parallel_loop3A_230 : f32 to vector<16xf32>
        %parallel_loop3A_464 = arith.mulf %parallel_loop3A_462, %parallel_loop3A_463 : vector<16xf32>
        %parallel_loop3A_465 = arith.addf %parallel_loop3A_456, %parallel_loop3A_464 : vector<16xf32>
        %parallel_loop3A_466 = arith.index_cast %parallel_loop3A_217 : i32 to index
        %parallel_loop3A_467 = arith.constant 80 : index
        %parallel_loop3A_468 = tpu.vector_load %arg12[%parallel_loop3A_466, %parallel_loop3A_467] {strides = array<i32>} : memref<64x128xf32, #tpu.memory_space<vmem>>, vector<1x16xf32>,
        %parallel_loop3A_469 = vector.shape_cast %parallel_loop3A_468 : vector<1x16xf32> to vector<16xf32>
        %parallel_loop3A_470 = vector.shape_cast %parallel_loop3A_465 : vector<16xf32> to vector<1x16xf32>
        tpu.vector_store %arg12[%parallel_loop3A_466, %parallel_loop3A_467], %parallel_loop3A_470 {strides = array<i32>} : memref<64x128xf32, #tpu.memory_space<vmem>>, vector<1x16xf32>,
      } {sc.loop_unroll_factor = 4 : i64, sc.parallel_access}
      "tpu.region"() ({
        %run_scoped3A = tpu.sem_alloc : memref<!tpu.dma_semaphore, #tpu.memory_space<semaphore_mem>>
        %dma_start3A_217 = arith.constant 0 : i32
        %dma_start3A_218 = tpu.memref_slice %arg5[%add3A_123, %dma_start3A_217] : memref<200704x128xf32, #tpu.memory_space<hbm>> -> memref<64x128xf32, #tpu.memory_space<hbm>>
        %dma_start3A_219 = arith.constant 0 : i32
        %dma_start3A_220 = tpu.memref_slice %arg5[%add3A_123, %dma_start3A_219] : memref<200704x128xf32, #tpu.memory_space<hbm>> -> memref<64x128xf32, #tpu.memory_space<hbm>>
        tpu.enqueue_dma source(%arg12 : memref<64x128xf32, #tpu.memory_space<vmem>>) target(%dma_start3A_220 : memref<64x128xf32, #tpu.memory_space<hbm>>) target_semaphore(%run_scoped3A : memref<!tpu.dma_semaphore, #tpu.memory_space<semaphore_mem>>)
        %dma_wait3A_221 = arith.constant 0 : i32
        %dma_wait3A_222 = tpu.memref_slice %arg5[%add3A_123, %dma_wait3A_221] : memref<200704x128xf32, #tpu.memory_space<hbm>> -> memref<64x128xf32, #tpu.memory_space<hbm>>
        %dma_wait3A_223 = arith.constant 0 : i32
        %dma_wait3A_224 = tpu.memref_slice %arg5[%add3A_123, %dma_wait3A_223] : memref<200704x128xf32, #tpu.memory_space<hbm>> -> memref<64x128xf32, #tpu.memory_space<hbm>>
        tpu.wait_dma2 semaphore(%run_scoped3A : memref<!tpu.dma_semaphore, #tpu.memory_space<semaphore_mem>>) src(%arg12 : memref<64x128xf32, #tpu.memory_space<vmem>>) dst(%dma_wait3A_224 : memref<64x128xf32, #tpu.memory_space<hbm>>)
        tpu.yield
      }) : () -> ()
      %lt3A = arith.constant 48 : i32
      %lt3A_165 = arith.cmpi slt, %scan3A_59, %lt3A : i32
      %convert_element_type3A = arith.extui %lt3A_165 : i1 to i32
      %cond3A = arith.constant 0 : i32
      %cond3A_166 = arith.cmpi ne, %convert_element_type3A, %cond3A : i32
      scf.if %cond3A_166 {
        %add3A_217 = arith.constant 2 : i32
        %add3A_218 = arith.addi %mul3A_61, %add3A_217 : i32
        %mul3A_219 = arith.constant 6272 : i32
        %mul3A_220 = arith.muli %add3A, %mul3A_219 : i32
        %mul3A_221 = arith.constant 64 : i32
        %mul3A_222 = arith.muli %add3A_218, %mul3A_221 : i32
        %add3A_223 = arith.addi %mul3A_220, %mul3A_222 : i32
        %add3A_224 = arith.constant 0 : i32
        %add3A_225 = arith.addi %add3A_224, %add3A_223 : i32
        "tpu.region"() ({
          %run_scoped3A = tpu.sem_alloc : memref<!tpu.dma_semaphore, #tpu.memory_space<semaphore_mem>>
          %dma_start3A_274 = arith.constant 0 : i32
          %dma_start3A_275 = tpu.memref_slice %arg6[%dma_start3A_274] : memref<256xi32, #tpu.memory_space<vmem>> -> memref<64xi32, #tpu.memory_space<vmem>>
          %dma_start3A_276 = tpu.memref_slice %arg3[%add3A_225] : memref<802816xi32, #tpu.memory_space<hbm>> -> memref<64xi32, #tpu.memory_space<hbm>>
          %dma_start3A_277 = arith.constant 0 : i32
          %dma_start3A_278 = tpu.memref_slice %arg6[%dma_start3A_277] : memref<256xi32, #tpu.memory_space<vmem>> -> memref<64xi32, #tpu.memory_space<vmem>>
          %dma_start3A_279 = tpu.memref_slice %arg3[%add3A_225] : memref<802816xi32, #tpu.memory_space<hbm>> -> memref<64xi32, #tpu.memory_space<hbm>>
          tpu.enqueue_dma source(%dma_start3A_279 : memref<64xi32, #tpu.memory_space<hbm>>) target(%dma_start3A_278 : memref<64xi32, #tpu.memory_space<vmem>>) target_semaphore(%run_scoped3A : memref<!tpu.dma_semaphore, #tpu.memory_space<semaphore_mem>>)
          %dma_wait3A_280 = arith.constant 0 : i32
          %dma_wait3A_281 = tpu.memref_slice %arg6[%dma_wait3A_280] : memref<256xi32, #tpu.memory_space<vmem>> -> memref<64xi32, #tpu.memory_space<vmem>>
          %dma_wait3A_282 = tpu.memref_slice %arg3[%add3A_225] : memref<802816xi32, #tpu.memory_space<hbm>> -> memref<64xi32, #tpu.memory_space<hbm>>
          %dma_wait3A_283 = arith.constant 0 : i32
          %dma_wait3A_284 = tpu.memref_slice %arg6[%dma_wait3A_283] : memref<256xi32, #tpu.memory_space<vmem>> -> memref<64xi32, #tpu.memory_space<vmem>>
          %dma_wait3A_285 = tpu.memref_slice %arg3[%add3A_225] : memref<802816xi32, #tpu.memory_space<hbm>> -> memref<64xi32, #tpu.memory_space<hbm>>
          tpu.wait_dma2 semaphore(%run_scoped3A : memref<!tpu.dma_semaphore, #tpu.memory_space<semaphore_mem>>) src(%dma_wait3A_285 : memref<64xi32, #tpu.memory_space<hbm>>) dst(%dma_wait3A_284 : memref<64xi32, #tpu.memory_space<vmem>>)
          tpu.yield
        }) : () -> ()
        %add3A_226 = arith.constant 200704 : i32
        %add3A_227 = arith.addi %add3A_226, %add3A_223 : i32
        "tpu.region"() ({
          %run_scoped3A = tpu.sem_alloc : memref<!tpu.dma_semaphore, #tpu.memory_space<semaphore_mem>>
          %dma_start3A_274 = arith.constant 64 : i32
          %dma_start3A_275 = tpu.memref_slice %arg6[%dma_start3A_274] : memref<256xi32, #tpu.memory_space<vmem>> -> memref<64xi32, #tpu.memory_space<vmem>>
          %dma_start3A_276 = tpu.memref_slice %arg3[%add3A_227] : memref<802816xi32, #tpu.memory_space<hbm>> -> memref<64xi32, #tpu.memory_space<hbm>>
          %dma_start3A_277 = arith.constant 64 : i32
          %dma_start3A_278 = tpu.memref_slice %arg6[%dma_start3A_277] : memref<256xi32, #tpu.memory_space<vmem>> -> memref<64xi32, #tpu.memory_space<vmem>>
          %dma_start3A_279 = tpu.memref_slice %arg3[%add3A_227] : memref<802816xi32, #tpu.memory_space<hbm>> -> memref<64xi32, #tpu.memory_space<hbm>>
          tpu.enqueue_dma source(%dma_start3A_279 : memref<64xi32, #tpu.memory_space<hbm>>) target(%dma_start3A_278 : memref<64xi32, #tpu.memory_space<vmem>>) target_semaphore(%run_scoped3A : memref<!tpu.dma_semaphore, #tpu.memory_space<semaphore_mem>>)
          %dma_wait3A_280 = arith.constant 64 : i32
          %dma_wait3A_281 = tpu.memref_slice %arg6[%dma_wait3A_280] : memref<256xi32, #tpu.memory_space<vmem>> -> memref<64xi32, #tpu.memory_space<vmem>>
          %dma_wait3A_282 = tpu.memref_slice %arg3[%add3A_227] : memref<802816xi32, #tpu.memory_space<hbm>> -> memref<64xi32, #tpu.memory_space<hbm>>
          %dma_wait3A_283 = arith.constant 64 : i32
          %dma_wait3A_284 = tpu.memref_slice %arg6[%dma_wait3A_283] : memref<256xi32, #tpu.memory_space<vmem>> -> memref<64xi32, #tpu.memory_space<vmem>>
          %dma_wait3A_285 = tpu.memref_slice %arg3[%add3A_227] : memref<802816xi32, #tpu.memory_space<hbm>> -> memref<64xi32, #tpu.memory_space<hbm>>
          tpu.wait_dma2 semaphore(%run_scoped3A : memref<!tpu.dma_semaphore, #tpu.memory_space<semaphore_mem>>) src(%dma_wait3A_285 : memref<64xi32, #tpu.memory_space<hbm>>) dst(%dma_wait3A_284 : memref<64xi32, #tpu.memory_space<vmem>>)
          tpu.yield
        }) : () -> ()
        %add3A_228 = arith.constant 401408 : i32
        %add3A_229 = arith.addi %add3A_228, %add3A_223 : i32
        "tpu.region"() ({
          %run_scoped3A = tpu.sem_alloc : memref<!tpu.dma_semaphore, #tpu.memory_space<semaphore_mem>>
          %dma_start3A_274 = arith.constant 128 : i32
          %dma_start3A_275 = tpu.memref_slice %arg6[%dma_start3A_274] : memref<256xi32, #tpu.memory_space<vmem>> -> memref<64xi32, #tpu.memory_space<vmem>>
          %dma_start3A_276 = tpu.memref_slice %arg3[%add3A_229] : memref<802816xi32, #tpu.memory_space<hbm>> -> memref<64xi32, #tpu.memory_space<hbm>>
          %dma_start3A_277 = arith.constant 128 : i32
          %dma_start3A_278 = tpu.memref_slice %arg6[%dma_start3A_277] : memref<256xi32, #tpu.memory_space<vmem>> -> memref<64xi32, #tpu.memory_space<vmem>>
          %dma_start3A_279 = tpu.memref_slice %arg3[%add3A_229] : memref<802816xi32, #tpu.memory_space<hbm>> -> memref<64xi32, #tpu.memory_space<hbm>>
          tpu.enqueue_dma source(%dma_start3A_279 : memref<64xi32, #tpu.memory_space<hbm>>) target(%dma_start3A_278 : memref<64xi32, #tpu.memory_space<vmem>>) target_semaphore(%run_scoped3A : memref<!tpu.dma_semaphore, #tpu.memory_space<semaphore_mem>>)
          %dma_wait3A_280 = arith.constant 128 : i32
          %dma_wait3A_281 = tpu.memref_slice %arg6[%dma_wait3A_280] : memref<256xi32, #tpu.memory_space<vmem>> -> memref<64xi32, #tpu.memory_space<vmem>>
          %dma_wait3A_282 = tpu.memref_slice %arg3[%add3A_229] : memref<802816xi32, #tpu.memory_space<hbm>> -> memref<64xi32, #tpu.memory_space<hbm>>
          %dma_wait3A_283 = arith.constant 128 : i32
          %dma_wait3A_284 = tpu.memref_slice %arg6[%dma_wait3A_283] : memref<256xi32, #tpu.memory_space<vmem>> -> memref<64xi32, #tpu.memory_space<vmem>>
          %dma_wait3A_285 = tpu.memref_slice %arg3[%add3A_229] : memref<802816xi32, #tpu.memory_space<hbm>> -> memref<64xi32, #tpu.memory_space<hbm>>
          tpu.wait_dma2 semaphore(%run_scoped3A : memref<!tpu.dma_semaphore, #tpu.memory_space<semaphore_mem>>) src(%dma_wait3A_285 : memref<64xi32, #tpu.memory_space<hbm>>) dst(%dma_wait3A_284 : memref<64xi32, #tpu.memory_space<vmem>>)
          tpu.yield
        }) : () -> ()
        %add3A_230 = arith.constant 602112 : i32
        %add3A_231 = arith.addi %add3A_230, %add3A_223 : i32
        "tpu.region"() ({
          %run_scoped3A = tpu.sem_alloc : memref<!tpu.dma_semaphore, #tpu.memory_space<semaphore_mem>>
          %dma_start3A_274 = arith.constant 192 : i32
          %dma_start3A_275 = tpu.memref_slice %arg6[%dma_start3A_274] : memref<256xi32, #tpu.memory_space<vmem>> -> memref<64xi32, #tpu.memory_space<vmem>>
          %dma_start3A_276 = tpu.memref_slice %arg3[%add3A_231] : memref<802816xi32, #tpu.memory_space<hbm>> -> memref<64xi32, #tpu.memory_space<hbm>>
          %dma_start3A_277 = arith.constant 192 : i32
          %dma_start3A_278 = tpu.memref_slice %arg6[%dma_start3A_277] : memref<256xi32, #tpu.memory_space<vmem>> -> memref<64xi32, #tpu.memory_space<vmem>>
          %dma_start3A_279 = tpu.memref_slice %arg3[%add3A_231] : memref<802816xi32, #tpu.memory_space<hbm>> -> memref<64xi32, #tpu.memory_space<hbm>>
          tpu.enqueue_dma source(%dma_start3A_279 : memref<64xi32, #tpu.memory_space<hbm>>) target(%dma_start3A_278 : memref<64xi32, #tpu.memory_space<vmem>>) target_semaphore(%run_scoped3A : memref<!tpu.dma_semaphore, #tpu.memory_space<semaphore_mem>>)
          %dma_wait3A_280 = arith.constant 192 : i32
          %dma_wait3A_281 = tpu.memref_slice %arg6[%dma_wait3A_280] : memref<256xi32, #tpu.memory_space<vmem>> -> memref<64xi32, #tpu.memory_space<vmem>>
          %dma_wait3A_282 = tpu.memref_slice %arg3[%add3A_231] : memref<802816xi32, #tpu.memory_space<hbm>> -> memref<64xi32, #tpu.memory_space<hbm>>
          %dma_wait3A_283 = arith.constant 192 : i32
          %dma_wait3A_284 = tpu.memref_slice %arg6[%dma_wait3A_283] : memref<256xi32, #tpu.memory_space<vmem>> -> memref<64xi32, #tpu.memory_space<vmem>>
          %dma_wait3A_285 = tpu.memref_slice %arg3[%add3A_231] : memref<802816xi32, #tpu.memory_space<hbm>> -> memref<64xi32, #tpu.memory_space<hbm>>
          tpu.wait_dma2 semaphore(%run_scoped3A : memref<!tpu.dma_semaphore, #tpu.memory_space<semaphore_mem>>) src(%dma_wait3A_285 : memref<64xi32, #tpu.memory_space<hbm>>) dst(%dma_wait3A_284 : memref<64xi32, #tpu.memory_space<vmem>>)
          tpu.yield
        }) : () -> ()
        %mul3A_232 = arith.constant 4 : i32
        %mul3A_233 = arith.muli %add3A_223, %mul3A_232 : i32
        "tpu.region"() ({
          %run_scoped3A = tpu.sem_alloc : memref<!tpu.dma_semaphore, #tpu.memory_space<semaphore_mem>>
          %dma_start3A_274 = arith.constant 0 : i32
          %dma_start3A_275 = tpu.memref_slice %arg8[%dma_start3A_274] : memref<272xf32, #tpu.memory_space<vmem>> -> memref<256xf32, #tpu.memory_space<vmem>>
          %dma_start3A_276 = tpu.memref_slice %arg4[%mul3A_233] : memref<802816xf32, #tpu.memory_space<hbm>> -> memref<256xf32, #tpu.memory_space<hbm>>
          %dma_start3A_277 = arith.constant 0 : i32
          %dma_start3A_278 = tpu.memref_slice %arg8[%dma_start3A_277] : memref<272xf32, #tpu.memory_space<vmem>> -> memref<256xf32, #tpu.memory_space<vmem>>
          %dma_start3A_279 = tpu.memref_slice %arg4[%mul3A_233] : memref<802816xf32, #tpu.memory_space<hbm>> -> memref<256xf32, #tpu.memory_space<hbm>>
          tpu.enqueue_dma source(%dma_start3A_279 : memref<256xf32, #tpu.memory_space<hbm>>) target(%dma_start3A_278 : memref<256xf32, #tpu.memory_space<vmem>>) target_semaphore(%run_scoped3A : memref<!tpu.dma_semaphore, #tpu.memory_space<semaphore_mem>>)
          %dma_wait3A_280 = arith.constant 0 : i32
          %dma_wait3A_281 = tpu.memref_slice %arg8[%dma_wait3A_280] : memref<272xf32, #tpu.memory_space<vmem>> -> memref<256xf32, #tpu.memory_space<vmem>>
          %dma_wait3A_282 = tpu.memref_slice %arg4[%mul3A_233] : memref<802816xf32, #tpu.memory_space<hbm>> -> memref<256xf32, #tpu.memory_space<hbm>>
          %dma_wait3A_283 = arith.constant 0 : i32
          %dma_wait3A_284 = tpu.memref_slice %arg8[%dma_wait3A_283] : memref<272xf32, #tpu.memory_space<vmem>> -> memref<256xf32, #tpu.memory_space<vmem>>
          %dma_wait3A_285 = tpu.memref_slice %arg4[%mul3A_233] : memref<802816xf32, #tpu.memory_space<hbm>> -> memref<256xf32, #tpu.memory_space<hbm>>
          tpu.wait_dma2 semaphore(%run_scoped3A : memref<!tpu.dma_semaphore, #tpu.memory_space<semaphore_mem>>) src(%dma_wait3A_285 : memref<256xf32, #tpu.memory_space<hbm>>) dst(%dma_wait3A_284 : memref<256xf32, #tpu.memory_space<vmem>>)
          tpu.yield
        }) : () -> ()
        %dma_start3A_234 = arith.constant 0 : i32
        %dma_start3A_235 = arith.constant 0 : i32
        %dma_start3A_236 = arith.constant 0 : i32
        %dma_start3A_237 = tpu.memref_slice %arg10[%dma_start3A_234, %dma_start3A_235, %dma_start3A_236] : memref<4x64x128xf32, #tpu.memory_space<vmem>> -> memref<1x64x128xf32, #tpu.memory_space<vmem>>
        %dma_start3A_238 = tpu.memref_squeeze %dma_start3A_237 : memref<1x64x128xf32, #tpu.memory_space<vmem>> -> memref<64x128xf32, #tpu.memory_space<vmem>>
        %dma_start3A_239 = arith.constant 0 : i32
        %dma_start3A_240 = tpu.memref_slice %arg6[%dma_start3A_239] : memref<256xi32, #tpu.memory_space<vmem>> -> memref<64xi32, #tpu.memory_space<vmem>>
        %dma_start3A_241 = arith.constant 0 : i32
        %dma_start3A_242 = arith.constant 0 : i32
        %dma_start3A_243 = tpu.memref_slice %arg2[%dma_start3A_241, %dma_start3A_242] : memref<200704x128xf32, #tpu.memory_space<hbm>> -> memref<200704x128xf32, #tpu.memory_space<hbm>>
        tpu.enqueue_indirect_dma source(%dma_start3A_243 : memref<200704x128xf32, #tpu.memory_space<hbm>>) target(%dma_start3A_238 : memref<64x128xf32, #tpu.memory_space<vmem>>) offsets(%dma_start3A_240 : memref<64xi32, #tpu.memory_space<vmem>>) semaphore(%arg14 : memref<!tpu.dma_semaphore, #tpu.memory_space<semaphore_mem>>)
        %dma_start3A_244 = arith.constant 1 : i32
        %dma_start3A_245 = arith.constant 0 : i32
        %dma_start3A_246 = arith.constant 0 : i32
        %dma_start3A_247 = tpu.memref_slice %arg10[%dma_start3A_244, %dma_start3A_245, %dma_start3A_246] : memref<4x64x128xf32, #tpu.memory_space<vmem>> -> memref<1x64x128xf32, #tpu.memory_space<vmem>>
        %dma_start3A_248 = tpu.memref_squeeze %dma_start3A_247 : memref<1x64x128xf32, #tpu.memory_space<vmem>> -> memref<64x128xf32, #tpu.memory_space<vmem>>
        %dma_start3A_249 = arith.constant 64 : i32
        %dma_start3A_250 = tpu.memref_slice %arg6[%dma_start3A_249] : memref<256xi32, #tpu.memory_space<vmem>> -> memref<64xi32, #tpu.memory_space<vmem>>
        %dma_start3A_251 = arith.constant 0 : i32
        %dma_start3A_252 = arith.constant 0 : i32
        %dma_start3A_253 = tpu.memref_slice %arg2[%dma_start3A_251, %dma_start3A_252] : memref<200704x128xf32, #tpu.memory_space<hbm>> -> memref<200704x128xf32, #tpu.memory_space<hbm>>
        tpu.enqueue_indirect_dma source(%dma_start3A_253 : memref<200704x128xf32, #tpu.memory_space<hbm>>) target(%dma_start3A_248 : memref<64x128xf32, #tpu.memory_space<vmem>>) offsets(%dma_start3A_250 : memref<64xi32, #tpu.memory_space<vmem>>) semaphore(%arg14 : memref<!tpu.dma_semaphore, #tpu.memory_space<semaphore_mem>>)
        %dma_start3A_254 = arith.constant 2 : i32
        %dma_start3A_255 = arith.constant 0 : i32
        %dma_start3A_256 = arith.constant 0 : i32
        %dma_start3A_257 = tpu.memref_slice %arg10[%dma_start3A_254, %dma_start3A_255, %dma_start3A_256] : memref<4x64x128xf32, #tpu.memory_space<vmem>> -> memref<1x64x128xf32, #tpu.memory_space<vmem>>
        %dma_start3A_258 = tpu.memref_squeeze %dma_start3A_257 : memref<1x64x128xf32, #tpu.memory_space<vmem>> -> memref<64x128xf32, #tpu.memory_space<vmem>>
        %dma_start3A_259 = arith.constant 128 : i32
        %dma_start3A_260 = tpu.memref_slice %arg6[%dma_start3A_259] : memref<256xi32, #tpu.memory_space<vmem>> -> memref<64xi32, #tpu.memory_space<vmem>>
        %dma_start3A_261 = arith.constant 0 : i32
        %dma_start3A_262 = arith.constant 0 : i32
        %dma_start3A_263 = tpu.memref_slice %arg2[%dma_start3A_261, %dma_start3A_262] : memref<200704x128xf32, #tpu.memory_space<hbm>> -> memref<200704x128xf32, #tpu.memory_space<hbm>>
        tpu.enqueue_indirect_dma source(%dma_start3A_263 : memref<200704x128xf32, #tpu.memory_space<hbm>>) target(%dma_start3A_258 : memref<64x128xf32, #tpu.memory_space<vmem>>) offsets(%dma_start3A_260 : memref<64xi32, #tpu.memory_space<vmem>>) semaphore(%arg14 : memref<!tpu.dma_semaphore, #tpu.memory_space<semaphore_mem>>)
        %dma_start3A_264 = arith.constant 3 : i32
        %dma_start3A_265 = arith.constant 0 : i32
        %dma_start3A_266 = arith.constant 0 : i32
        %dma_start3A_267 = tpu.memref_slice %arg10[%dma_start3A_264, %dma_start3A_265, %dma_start3A_266] : memref<4x64x128xf32, #tpu.memory_space<vmem>> -> memref<1x64x128xf32, #tpu.memory_space<vmem>>
        %dma_start3A_268 = tpu.memref_squeeze %dma_start3A_267 : memref<1x64x128xf32, #tpu.memory_space<vmem>> -> memref<64x128xf32, #tpu.memory_space<vmem>>
        %dma_start3A_269 = arith.constant 192 : i32
        %dma_start3A_270 = tpu.memref_slice %arg6[%dma_start3A_269] : memref<256xi32, #tpu.memory_space<vmem>> -> memref<64xi32, #tpu.memory_space<vmem>>
        %dma_start3A_271 = arith.constant 0 : i32
        %dma_start3A_272 = arith.constant 0 : i32
        %dma_start3A_273 = tpu.memref_slice %arg2[%dma_start3A_271, %dma_start3A_272] : memref<200704x128xf32, #tpu.memory_space<hbm>> -> memref<200704x128xf32, #tpu.memory_space<hbm>>
        tpu.enqueue_indirect_dma source(%dma_start3A_273 : memref<200704x128xf32, #tpu.memory_space<hbm>>) target(%dma_start3A_268 : memref<64x128xf32, #tpu.memory_space<vmem>>) offsets(%dma_start3A_270 : memref<64xi32, #tpu.memory_space<vmem>>) semaphore(%arg14 : memref<!tpu.dma_semaphore, #tpu.memory_space<semaphore_mem>>)
      } else {
      }
      %add3A_167 = arith.constant 1 : i32
      %add3A_168 = arith.addi %mul3A_61, %add3A_167 : i32
      %mul3A_169 = arith.constant 6272 : i32
      %mul3A_170 = arith.muli %add3A, %mul3A_169 : i32
      %mul3A_171 = arith.constant 64 : i32
      %mul3A_172 = arith.muli %add3A_168, %mul3A_171 : i32
      %add3A_173 = arith.addi %mul3A_170, %mul3A_172 : i32
      %dma_wait3A_174 = arith.constant 0 : i32
      %dma_wait3A_175 = arith.constant 0 : i32
      %dma_wait3A_176 = arith.constant 0 : i32
      %dma_wait3A_177 = tpu.memref_slice %arg11[%dma_wait3A_174, %dma_wait3A_175, %dma_wait3A_176] : memref<4x64x128xf32, #tpu.memory_space<vmem>> -> memref<1x64x128xf32, #tpu.memory_space<vmem>>
      %dma_wait3A_178 = tpu.memref_squeeze %dma_wait3A_177 : memref<1x64x128xf32, #tpu.memory_space<vmem>> -> memref<64x128xf32, #tpu.memory_space<vmem>>
      %dma_wait3A_179 = arith.constant 0 : i32
      %dma_wait3A_180 = tpu.memref_slice %arg7[%dma_wait3A_179] : memref<256xi32, #tpu.memory_space<vmem>> -> memref<64xi32, #tpu.memory_space<vmem>>
      %dma_wait3A_181 = arith.constant 0 : i32
      %dma_wait3A_182 = arith.constant 0 : i32
      %dma_wait3A_183 = tpu.memref_slice %arg2[%dma_wait3A_181, %dma_wait3A_182] : memref<200704x128xf32, #tpu.memory_space<hbm>> -> memref<200704x128xf32, #tpu.memory_space<hbm>>
      tpu.wait_indirect_dma semaphore(%arg15 : memref<!tpu.dma_semaphore, #tpu.memory_space<semaphore_mem>>) src(%dma_wait3A_183 : memref<200704x128xf32, #tpu.memory_space<hbm>>) dst(%dma_wait3A_178 : memref<64x128xf32, #tpu.memory_space<vmem>>)
      %dma_wait3A_184 = arith.constant 1 : i32
      %dma_wait3A_185 = arith.constant 0 : i32
      %dma_wait3A_186 = arith.constant 0 : i32
      %dma_wait3A_187 = tpu.memref_slice %arg11[%dma_wait3A_184, %dma_wait3A_185, %dma_wait3A_186] : memref<4x64x128xf32, #tpu.memory_space<vmem>> -> memref<1x64x128xf32, #tpu.memory_space<vmem>>
      %dma_wait3A_188 = tpu.memref_squeeze %dma_wait3A_187 : memref<1x64x128xf32, #tpu.memory_space<vmem>> -> memref<64x128xf32, #tpu.memory_space<vmem>>
      %dma_wait3A_189 = arith.constant 64 : i32
      %dma_wait3A_190 = tpu.memref_slice %arg7[%dma_wait3A_189] : memref<256xi32, #tpu.memory_space<vmem>> -> memref<64xi32, #tpu.memory_space<vmem>>
      %dma_wait3A_191 = arith.constant 0 : i32
      %dma_wait3A_192 = arith.constant 0 : i32
      %dma_wait3A_193 = tpu.memref_slice %arg2[%dma_wait3A_191, %dma_wait3A_192] : memref<200704x128xf32, #tpu.memory_space<hbm>> -> memref<200704x128xf32, #tpu.memory_space<hbm>>
      tpu.wait_indirect_dma semaphore(%arg15 : memref<!tpu.dma_semaphore, #tpu.memory_space<semaphore_mem>>) src(%dma_wait3A_193 : memref<200704x128xf32, #tpu.memory_space<hbm>>) dst(%dma_wait3A_188 : memref<64x128xf32, #tpu.memory_space<vmem>>)
      %dma_wait3A_194 = arith.constant 2 : i32
      %dma_wait3A_195 = arith.constant 0 : i32
      %dma_wait3A_196 = arith.constant 0 : i32
      %dma_wait3A_197 = tpu.memref_slice %arg11[%dma_wait3A_194, %dma_wait3A_195, %dma_wait3A_196] : memref<4x64x128xf32, #tpu.memory_space<vmem>> -> memref<1x64x128xf32, #tpu.memory_space<vmem>>
      %dma_wait3A_198 = tpu.memref_squeeze %dma_wait3A_197 : memref<1x64x128xf32, #tpu.memory_space<vmem>> -> memref<64x128xf32, #tpu.memory_space<vmem>>
      %dma_wait3A_199 = arith.constant 128 : i32
      %dma_wait3A_200 = tpu.memref_slice %arg7[%dma_wait3A_199] : memref<256xi32, #tpu.memory_space<vmem>> -> memref<64xi32, #tpu.memory_space<vmem>>
      %dma_wait3A_201 = arith.constant 0 : i32
      %dma_wait3A_202 = arith.constant 0 : i32
      %dma_wait3A_203 = tpu.memref_slice %arg2[%dma_wait3A_201, %dma_wait3A_202] : memref<200704x128xf32, #tpu.memory_space<hbm>> -> memref<200704x128xf32, #tpu.memory_space<hbm>>
      tpu.wait_indirect_dma semaphore(%arg15 : memref<!tpu.dma_semaphore, #tpu.memory_space<semaphore_mem>>) src(%dma_wait3A_203 : memref<200704x128xf32, #tpu.memory_space<hbm>>) dst(%dma_wait3A_198 : memref<64x128xf32, #tpu.memory_space<vmem>>)
      %dma_wait3A_204 = arith.constant 3 : i32
      %dma_wait3A_205 = arith.constant 0 : i32
      %dma_wait3A_206 = arith.constant 0 : i32
      %dma_wait3A_207 = tpu.memref_slice %arg11[%dma_wait3A_204, %dma_wait3A_205, %dma_wait3A_206] : memref<4x64x128xf32, #tpu.memory_space<vmem>> -> memref<1x64x128xf32, #tpu.memory_space<vmem>>
      %dma_wait3A_208 = tpu.memref_squeeze %dma_wait3A_207 : memref<1x64x128xf32, #tpu.memory_space<vmem>> -> memref<64x128xf32, #tpu.memory_space<vmem>>
      %dma_wait3A_209 = arith.constant 192 : i32
      %dma_wait3A_210 = tpu.memref_slice %arg7[%dma_wait3A_209] : memref<256xi32, #tpu.memory_space<vmem>> -> memref<64xi32, #tpu.memory_space<vmem>>
      %dma_wait3A_211 = arith.constant 0 : i32
      %dma_wait3A_212 = arith.constant 0 : i32
      %dma_wait3A_213 = tpu.memref_slice %arg2[%dma_wait3A_211, %dma_wait3A_212] : memref<200704x128xf32, #tpu.memory_space<hbm>> -> memref<200704x128xf32, #tpu.memory_space<hbm>>
      tpu.wait_indirect_dma semaphore(%arg15 : memref<!tpu.dma_semaphore, #tpu.memory_space<semaphore_mem>>) src(%dma_wait3A_213 : memref<200704x128xf32, #tpu.memory_space<hbm>>) dst(%dma_wait3A_208 : memref<64x128xf32, #tpu.memory_space<vmem>>)
      %parallel_loop3A_214 = arith.constant 0 : i32
      %parallel_loop3A_215 = arith.constant 64 : i32
      %parallel_loop3A_216 = arith.constant 1 : i32
      scf.for %parallel_loop3A_217 = %parallel_loop3A_214 to %parallel_loop3A_215 step %parallel_loop3A_216  : i32 {
        %parallel_loop3A_218 = arith.constant 4 : i32
        %parallel_loop3A_219 = arith.muli %parallel_loop3A_217, %parallel_loop3A_218 : i32
        %parallel_loop3A_220 = arith.index_cast %parallel_loop3A_219 : i32 to index
        %parallel_loop3A_221 = tpu.vector_load %arg9[%parallel_loop3A_220] {strides = array<i32>} : memref<272xf32, #tpu.memory_space<vmem>>, vector<16xf32>,
        %parallel_loop3A_222 = vector.shape_cast %parallel_loop3A_221 : vector<16xf32> to vector<16xf32>
        %parallel_loop3A_223 = vector.extract_strided_slice %parallel_loop3A_222 {offsets = [0], sizes = [1], strides = [1]} : vector<16xf32> to vector<1xf32>
        %parallel_loop3A_224 = vector.extract %parallel_loop3A_223[0] : f32 from vector<1xf32>
        %parallel_loop3A_225 = vector.extract_strided_slice %parallel_loop3A_222 {offsets = [1], sizes = [1], strides = [1]} : vector<16xf32> to vector<1xf32>
        %parallel_loop3A_226 = vector.extract %parallel_loop3A_225[0] : f32 from vector<1xf32>
        %parallel_loop3A_227 = vector.extract_strided_slice %parallel_loop3A_222 {offsets = [2], sizes = [1], strides = [1]} : vector<16xf32> to vector<1xf32>
        %parallel_loop3A_228 = vector.extract %parallel_loop3A_227[0] : f32 from vector<1xf32>
        %parallel_loop3A_229 = vector.extract_strided_slice %parallel_loop3A_222 {offsets = [3], sizes = [1], strides = [1]} : vector<16xf32> to vector<1xf32>
        %parallel_loop3A_230 = vector.extract %parallel_loop3A_229[0] : f32 from vector<1xf32>
        %parallel_loop3A_231 = arith.constant 0 : i32
        %parallel_loop3A_232 = arith.index_cast %parallel_loop3A_231 : i32 to index
        %parallel_loop3A_233 = arith.index_cast %parallel_loop3A_217 : i32 to index
        %parallel_loop3A_234 = arith.constant 0 : index
        %parallel_loop3A_235 = tpu.vector_load %arg11[%parallel_loop3A_232, %parallel_loop3A_233, %parallel_loop3A_234] {strides = array<i32>} : memref<4x64x128xf32, #tpu.memory_space<vmem>>, vector<1x1x16xf32>,
        %parallel_loop3A_236 = vector.shape_cast %parallel_loop3A_235 : vector<1x1x16xf32> to vector<16xf32>
        %parallel_loop3A_237 = vector.broadcast %parallel_loop3A_224 : f32 to vector<16xf32>
        %parallel_loop3A_238 = arith.mulf %parallel_loop3A_236, %parallel_loop3A_237 : vector<16xf32>
        %parallel_loop3A_239 = arith.constant 1 : i32
        %parallel_loop3A_240 = arith.index_cast %parallel_loop3A_239 : i32 to index
        %parallel_loop3A_241 = arith.index_cast %parallel_loop3A_217 : i32 to index
        %parallel_loop3A_242 = arith.constant 0 : index
        %parallel_loop3A_243 = tpu.vector_load %arg11[%parallel_loop3A_240, %parallel_loop3A_241, %parallel_loop3A_242] {strides = array<i32>} : memref<4x64x128xf32, #tpu.memory_space<vmem>>, vector<1x1x16xf32>,
        %parallel_loop3A_244 = vector.shape_cast %parallel_loop3A_243 : vector<1x1x16xf32> to vector<16xf32>
        %parallel_loop3A_245 = vector.broadcast %parallel_loop3A_226 : f32 to vector<16xf32>
        %parallel_loop3A_246 = arith.mulf %parallel_loop3A_244, %parallel_loop3A_245 : vector<16xf32>
        %parallel_loop3A_247 = arith.addf %parallel_loop3A_238, %parallel_loop3A_246 : vector<16xf32>
        %parallel_loop3A_248 = arith.constant 2 : i32
        %parallel_loop3A_249 = arith.index_cast %parallel_loop3A_248 : i32 to index
        %parallel_loop3A_250 = arith.index_cast %parallel_loop3A_217 : i32 to index
        %parallel_loop3A_251 = arith.constant 0 : index
        %parallel_loop3A_252 = tpu.vector_load %arg11[%parallel_loop3A_249, %parallel_loop3A_250, %parallel_loop3A_251] {strides = array<i32>} : memref<4x64x128xf32, #tpu.memory_space<vmem>>, vector<1x1x16xf32>,
        %parallel_loop3A_253 = vector.shape_cast %parallel_loop3A_252 : vector<1x1x16xf32> to vector<16xf32>
        %parallel_loop3A_254 = vector.broadcast %parallel_loop3A_228 : f32 to vector<16xf32>
        %parallel_loop3A_255 = arith.mulf %parallel_loop3A_253, %parallel_loop3A_254 : vector<16xf32>
        %parallel_loop3A_256 = arith.addf %parallel_loop3A_247, %parallel_loop3A_255 : vector<16xf32>
        %parallel_loop3A_257 = arith.constant 3 : i32
        %parallel_loop3A_258 = arith.index_cast %parallel_loop3A_257 : i32 to index
        %parallel_loop3A_259 = arith.index_cast %parallel_loop3A_217 : i32 to index
        %parallel_loop3A_260 = arith.constant 0 : index
        %parallel_loop3A_261 = tpu.vector_load %arg11[%parallel_loop3A_258, %parallel_loop3A_259, %parallel_loop3A_260] {strides = array<i32>} : memref<4x64x128xf32, #tpu.memory_space<vmem>>, vector<1x1x16xf32>,
        %parallel_loop3A_262 = vector.shape_cast %parallel_loop3A_261 : vector<1x1x16xf32> to vector<16xf32>
        %parallel_loop3A_263 = vector.broadcast %parallel_loop3A_230 : f32 to vector<16xf32>
        %parallel_loop3A_264 = arith.mulf %parallel_loop3A_262, %parallel_loop3A_263 : vector<16xf32>
        %parallel_loop3A_265 = arith.addf %parallel_loop3A_256, %parallel_loop3A_264 : vector<16xf32>
        %parallel_loop3A_266 = arith.index_cast %parallel_loop3A_217 : i32 to index
        %parallel_loop3A_267 = arith.constant 0 : index
        %parallel_loop3A_268 = tpu.vector_load %arg13[%parallel_loop3A_266, %parallel_loop3A_267] {strides = array<i32>} : memref<64x128xf32, #tpu.memory_space<vmem>>, vector<1x16xf32>,
        %parallel_loop3A_269 = vector.shape_cast %parallel_loop3A_268 : vector<1x16xf32> to vector<16xf32>
        %parallel_loop3A_270 = vector.shape_cast %parallel_loop3A_265 : vector<16xf32> to vector<1x16xf32>
        tpu.vector_store %arg13[%parallel_loop3A_266, %parallel_loop3A_267], %parallel_loop3A_270 {strides = array<i32>} : memref<64x128xf32, #tpu.memory_space<vmem>>, vector<1x16xf32>,
        %parallel_loop3A_271 = arith.constant 0 : i32
        %parallel_loop3A_272 = arith.index_cast %parallel_loop3A_271 : i32 to index
        %parallel_loop3A_273 = arith.index_cast %parallel_loop3A_217 : i32 to index
        %parallel_loop3A_274 = arith.constant 16 : index
        %parallel_loop3A_275 = tpu.vector_load %arg11[%parallel_loop3A_272, %parallel_loop3A_273, %parallel_loop3A_274] {strides = array<i32>} : memref<4x64x128xf32, #tpu.memory_space<vmem>>, vector<1x1x16xf32>,
        %parallel_loop3A_276 = vector.shape_cast %parallel_loop3A_275 : vector<1x1x16xf32> to vector<16xf32>
        %parallel_loop3A_277 = vector.broadcast %parallel_loop3A_224 : f32 to vector<16xf32>
        %parallel_loop3A_278 = arith.mulf %parallel_loop3A_276, %parallel_loop3A_277 : vector<16xf32>
        %parallel_loop3A_279 = arith.constant 1 : i32
        %parallel_loop3A_280 = arith.index_cast %parallel_loop3A_279 : i32 to index
        %parallel_loop3A_281 = arith.index_cast %parallel_loop3A_217 : i32 to index
        %parallel_loop3A_282 = arith.constant 16 : index
        %parallel_loop3A_283 = tpu.vector_load %arg11[%parallel_loop3A_280, %parallel_loop3A_281, %parallel_loop3A_282] {strides = array<i32>} : memref<4x64x128xf32, #tpu.memory_space<vmem>>, vector<1x1x16xf32>,
        %parallel_loop3A_284 = vector.shape_cast %parallel_loop3A_283 : vector<1x1x16xf32> to vector<16xf32>
        %parallel_loop3A_285 = vector.broadcast %parallel_loop3A_226 : f32 to vector<16xf32>
        %parallel_loop3A_286 = arith.mulf %parallel_loop3A_284, %parallel_loop3A_285 : vector<16xf32>
        %parallel_loop3A_287 = arith.addf %parallel_loop3A_278, %parallel_loop3A_286 : vector<16xf32>
        %parallel_loop3A_288 = arith.constant 2 : i32
        %parallel_loop3A_289 = arith.index_cast %parallel_loop3A_288 : i32 to index
        %parallel_loop3A_290 = arith.index_cast %parallel_loop3A_217 : i32 to index
        %parallel_loop3A_291 = arith.constant 16 : index
        %parallel_loop3A_292 = tpu.vector_load %arg11[%parallel_loop3A_289, %parallel_loop3A_290, %parallel_loop3A_291] {strides = array<i32>} : memref<4x64x128xf32, #tpu.memory_space<vmem>>, vector<1x1x16xf32>,
        %parallel_loop3A_293 = vector.shape_cast %parallel_loop3A_292 : vector<1x1x16xf32> to vector<16xf32>
        %parallel_loop3A_294 = vector.broadcast %parallel_loop3A_228 : f32 to vector<16xf32>
        %parallel_loop3A_295 = arith.mulf %parallel_loop3A_293, %parallel_loop3A_294 : vector<16xf32>
        %parallel_loop3A_296 = arith.addf %parallel_loop3A_287, %parallel_loop3A_295 : vector<16xf32>
        %parallel_loop3A_297 = arith.constant 3 : i32
        %parallel_loop3A_298 = arith.index_cast %parallel_loop3A_297 : i32 to index
        %parallel_loop3A_299 = arith.index_cast %parallel_loop3A_217 : i32 to index
        %parallel_loop3A_300 = arith.constant 16 : index
        %parallel_loop3A_301 = tpu.vector_load %arg11[%parallel_loop3A_298, %parallel_loop3A_299, %parallel_loop3A_300] {strides = array<i32>} : memref<4x64x128xf32, #tpu.memory_space<vmem>>, vector<1x1x16xf32>,
        %parallel_loop3A_302 = vector.shape_cast %parallel_loop3A_301 : vector<1x1x16xf32> to vector<16xf32>
        %parallel_loop3A_303 = vector.broadcast %parallel_loop3A_230 : f32 to vector<16xf32>
        %parallel_loop3A_304 = arith.mulf %parallel_loop3A_302, %parallel_loop3A_303 : vector<16xf32>
        %parallel_loop3A_305 = arith.addf %parallel_loop3A_296, %parallel_loop3A_304 : vector<16xf32>
        %parallel_loop3A_306 = arith.index_cast %parallel_loop3A_217 : i32 to index
        %parallel_loop3A_307 = arith.constant 16 : index
        %parallel_loop3A_308 = tpu.vector_load %arg13[%parallel_loop3A_306, %parallel_loop3A_307] {strides = array<i32>} : memref<64x128xf32, #tpu.memory_space<vmem>>, vector<1x16xf32>,
        %parallel_loop3A_309 = vector.shape_cast %parallel_loop3A_308 : vector<1x16xf32> to vector<16xf32>
        %parallel_loop3A_310 = vector.shape_cast %parallel_loop3A_305 : vector<16xf32> to vector<1x16xf32>
        tpu.vector_store %arg13[%parallel_loop3A_306, %parallel_loop3A_307], %parallel_loop3A_310 {strides = array<i32>} : memref<64x128xf32, #tpu.memory_space<vmem>>, vector<1x16xf32>,
        %parallel_loop3A_311 = arith.constant 0 : i32
        %parallel_loop3A_312 = arith.index_cast %parallel_loop3A_311 : i32 to index
        %parallel_loop3A_313 = arith.index_cast %parallel_loop3A_217 : i32 to index
        %parallel_loop3A_314 = arith.constant 32 : index
        %parallel_loop3A_315 = tpu.vector_load %arg11[%parallel_loop3A_312, %parallel_loop3A_313, %parallel_loop3A_314] {strides = array<i32>} : memref<4x64x128xf32, #tpu.memory_space<vmem>>, vector<1x1x16xf32>,
        %parallel_loop3A_316 = vector.shape_cast %parallel_loop3A_315 : vector<1x1x16xf32> to vector<16xf32>
        %parallel_loop3A_317 = vector.broadcast %parallel_loop3A_224 : f32 to vector<16xf32>
        %parallel_loop3A_318 = arith.mulf %parallel_loop3A_316, %parallel_loop3A_317 : vector<16xf32>
        %parallel_loop3A_319 = arith.constant 1 : i32
        %parallel_loop3A_320 = arith.index_cast %parallel_loop3A_319 : i32 to index
        %parallel_loop3A_321 = arith.index_cast %parallel_loop3A_217 : i32 to index
        %parallel_loop3A_322 = arith.constant 32 : index
        %parallel_loop3A_323 = tpu.vector_load %arg11[%parallel_loop3A_320, %parallel_loop3A_321, %parallel_loop3A_322] {strides = array<i32>} : memref<4x64x128xf32, #tpu.memory_space<vmem>>, vector<1x1x16xf32>,
        %parallel_loop3A_324 = vector.shape_cast %parallel_loop3A_323 : vector<1x1x16xf32> to vector<16xf32>
        %parallel_loop3A_325 = vector.broadcast %parallel_loop3A_226 : f32 to vector<16xf32>
        %parallel_loop3A_326 = arith.mulf %parallel_loop3A_324, %parallel_loop3A_325 : vector<16xf32>
        %parallel_loop3A_327 = arith.addf %parallel_loop3A_318, %parallel_loop3A_326 : vector<16xf32>
        %parallel_loop3A_328 = arith.constant 2 : i32
        %parallel_loop3A_329 = arith.index_cast %parallel_loop3A_328 : i32 to index
        %parallel_loop3A_330 = arith.index_cast %parallel_loop3A_217 : i32 to index
        %parallel_loop3A_331 = arith.constant 32 : index
        %parallel_loop3A_332 = tpu.vector_load %arg11[%parallel_loop3A_329, %parallel_loop3A_330, %parallel_loop3A_331] {strides = array<i32>} : memref<4x64x128xf32, #tpu.memory_space<vmem>>, vector<1x1x16xf32>,
        %parallel_loop3A_333 = vector.shape_cast %parallel_loop3A_332 : vector<1x1x16xf32> to vector<16xf32>
        %parallel_loop3A_334 = vector.broadcast %parallel_loop3A_228 : f32 to vector<16xf32>
        %parallel_loop3A_335 = arith.mulf %parallel_loop3A_333, %parallel_loop3A_334 : vector<16xf32>
        %parallel_loop3A_336 = arith.addf %parallel_loop3A_327, %parallel_loop3A_335 : vector<16xf32>
        %parallel_loop3A_337 = arith.constant 3 : i32
        %parallel_loop3A_338 = arith.index_cast %parallel_loop3A_337 : i32 to index
        %parallel_loop3A_339 = arith.index_cast %parallel_loop3A_217 : i32 to index
        %parallel_loop3A_340 = arith.constant 32 : index
        %parallel_loop3A_341 = tpu.vector_load %arg11[%parallel_loop3A_338, %parallel_loop3A_339, %parallel_loop3A_340] {strides = array<i32>} : memref<4x64x128xf32, #tpu.memory_space<vmem>>, vector<1x1x16xf32>,
        %parallel_loop3A_342 = vector.shape_cast %parallel_loop3A_341 : vector<1x1x16xf32> to vector<16xf32>
        %parallel_loop3A_343 = vector.broadcast %parallel_loop3A_230 : f32 to vector<16xf32>
        %parallel_loop3A_344 = arith.mulf %parallel_loop3A_342, %parallel_loop3A_343 : vector<16xf32>
        %parallel_loop3A_345 = arith.addf %parallel_loop3A_336, %parallel_loop3A_344 : vector<16xf32>
        %parallel_loop3A_346 = arith.index_cast %parallel_loop3A_217 : i32 to index
        %parallel_loop3A_347 = arith.constant 32 : index
        %parallel_loop3A_348 = tpu.vector_load %arg13[%parallel_loop3A_346, %parallel_loop3A_347] {strides = array<i32>} : memref<64x128xf32, #tpu.memory_space<vmem>>, vector<1x16xf32>,
        %parallel_loop3A_349 = vector.shape_cast %parallel_loop3A_348 : vector<1x16xf32> to vector<16xf32>
        %parallel_loop3A_350 = vector.shape_cast %parallel_loop3A_345 : vector<16xf32> to vector<1x16xf32>
        tpu.vector_store %arg13[%parallel_loop3A_346, %parallel_loop3A_347], %parallel_loop3A_350 {strides = array<i32>} : memref<64x128xf32, #tpu.memory_space<vmem>>, vector<1x16xf32>,
        %parallel_loop3A_351 = arith.constant 0 : i32
        %parallel_loop3A_352 = arith.index_cast %parallel_loop3A_351 : i32 to index
        %parallel_loop3A_353 = arith.index_cast %parallel_loop3A_217 : i32 to index
        %parallel_loop3A_354 = arith.constant 48 : index
        %parallel_loop3A_355 = tpu.vector_load %arg11[%parallel_loop3A_352, %parallel_loop3A_353, %parallel_loop3A_354] {strides = array<i32>} : memref<4x64x128xf32, #tpu.memory_space<vmem>>, vector<1x1x16xf32>,
        %parallel_loop3A_356 = vector.shape_cast %parallel_loop3A_355 : vector<1x1x16xf32> to vector<16xf32>
        %parallel_loop3A_357 = vector.broadcast %parallel_loop3A_224 : f32 to vector<16xf32>
        %parallel_loop3A_358 = arith.mulf %parallel_loop3A_356, %parallel_loop3A_357 : vector<16xf32>
        %parallel_loop3A_359 = arith.constant 1 : i32
        %parallel_loop3A_360 = arith.index_cast %parallel_loop3A_359 : i32 to index
        %parallel_loop3A_361 = arith.index_cast %parallel_loop3A_217 : i32 to index
        %parallel_loop3A_362 = arith.constant 48 : index
        %parallel_loop3A_363 = tpu.vector_load %arg11[%parallel_loop3A_360, %parallel_loop3A_361, %parallel_loop3A_362] {strides = array<i32>} : memref<4x64x128xf32, #tpu.memory_space<vmem>>, vector<1x1x16xf32>,
        %parallel_loop3A_364 = vector.shape_cast %parallel_loop3A_363 : vector<1x1x16xf32> to vector<16xf32>
        %parallel_loop3A_365 = vector.broadcast %parallel_loop3A_226 : f32 to vector<16xf32>
        %parallel_loop3A_366 = arith.mulf %parallel_loop3A_364, %parallel_loop3A_365 : vector<16xf32>
        %parallel_loop3A_367 = arith.addf %parallel_loop3A_358, %parallel_loop3A_366 : vector<16xf32>
        %parallel_loop3A_368 = arith.constant 2 : i32
        %parallel_loop3A_369 = arith.index_cast %parallel_loop3A_368 : i32 to index
        %parallel_loop3A_370 = arith.index_cast %parallel_loop3A_217 : i32 to index
        %parallel_loop3A_371 = arith.constant 48 : index
        %parallel_loop3A_372 = tpu.vector_load %arg11[%parallel_loop3A_369, %parallel_loop3A_370, %parallel_loop3A_371] {strides = array<i32>} : memref<4x64x128xf32, #tpu.memory_space<vmem>>, vector<1x1x16xf32>,
        %parallel_loop3A_373 = vector.shape_cast %parallel_loop3A_372 : vector<1x1x16xf32> to vector<16xf32>
        %parallel_loop3A_374 = vector.broadcast %parallel_loop3A_228 : f32 to vector<16xf32>
        %parallel_loop3A_375 = arith.mulf %parallel_loop3A_373, %parallel_loop3A_374 : vector<16xf32>
        %parallel_loop3A_376 = arith.addf %parallel_loop3A_367, %parallel_loop3A_375 : vector<16xf32>
        %parallel_loop3A_377 = arith.constant 3 : i32
        %parallel_loop3A_378 = arith.index_cast %parallel_loop3A_377 : i32 to index
        %parallel_loop3A_379 = arith.index_cast %parallel_loop3A_217 : i32 to index
        %parallel_loop3A_380 = arith.constant 48 : index
        %parallel_loop3A_381 = tpu.vector_load %arg11[%parallel_loop3A_378, %parallel_loop3A_379, %parallel_loop3A_380] {strides = array<i32>} : memref<4x64x128xf32, #tpu.memory_space<vmem>>, vector<1x1x16xf32>,
        %parallel_loop3A_382 = vector.shape_cast %parallel_loop3A_381 : vector<1x1x16xf32> to vector<16xf32>
        %parallel_loop3A_383 = vector.broadcast %parallel_loop3A_230 : f32 to vector<16xf32>
        %parallel_loop3A_384 = arith.mulf %parallel_loop3A_382, %parallel_loop3A_383 : vector<16xf32>
        %parallel_loop3A_385 = arith.addf %parallel_loop3A_376, %parallel_loop3A_384 : vector<16xf32>
        %parallel_loop3A_386 = arith.index_cast %parallel_loop3A_217 : i32 to index
        %parallel_loop3A_387 = arith.constant 48 : index
        %parallel_loop3A_388 = tpu.vector_load %arg13[%parallel_loop3A_386, %parallel_loop3A_387] {strides = array<i32>} : memref<64x128xf32, #tpu.memory_space<vmem>>, vector<1x16xf32>,
        %parallel_loop3A_389 = vector.shape_cast %parallel_loop3A_388 : vector<1x16xf32> to vector<16xf32>
        %parallel_loop3A_390 = vector.shape_cast %parallel_loop3A_385 : vector<16xf32> to vector<1x16xf32>
        tpu.vector_store %arg13[%parallel_loop3A_386, %parallel_loop3A_387], %parallel_loop3A_390 {strides = array<i32>} : memref<64x128xf32, #tpu.memory_space<vmem>>, vector<1x16xf32>,
        %parallel_loop3A_391 = arith.constant 0 : i32
        %parallel_loop3A_392 = arith.index_cast %parallel_loop3A_391 : i32 to index
        %parallel_loop3A_393 = arith.index_cast %parallel_loop3A_217 : i32 to index
        %parallel_loop3A_394 = arith.constant 64 : index
        %parallel_loop3A_395 = tpu.vector_load %arg11[%parallel_loop3A_392, %parallel_loop3A_393, %parallel_loop3A_394] {strides = array<i32>} : memref<4x64x128xf32, #tpu.memory_space<vmem>>, vector<1x1x16xf32>,
        %parallel_loop3A_396 = vector.shape_cast %parallel_loop3A_395 : vector<1x1x16xf32> to vector<16xf32>
        %parallel_loop3A_397 = vector.broadcast %parallel_loop3A_224 : f32 to vector<16xf32>
        %parallel_loop3A_398 = arith.mulf %parallel_loop3A_396, %parallel_loop3A_397 : vector<16xf32>
        %parallel_loop3A_399 = arith.constant 1 : i32
        %parallel_loop3A_400 = arith.index_cast %parallel_loop3A_399 : i32 to index
        %parallel_loop3A_401 = arith.index_cast %parallel_loop3A_217 : i32 to index
        %parallel_loop3A_402 = arith.constant 64 : index
        %parallel_loop3A_403 = tpu.vector_load %arg11[%parallel_loop3A_400, %parallel_loop3A_401, %parallel_loop3A_402] {strides = array<i32>} : memref<4x64x128xf32, #tpu.memory_space<vmem>>, vector<1x1x16xf32>,
        %parallel_loop3A_404 = vector.shape_cast %parallel_loop3A_403 : vector<1x1x16xf32> to vector<16xf32>
        %parallel_loop3A_405 = vector.broadcast %parallel_loop3A_226 : f32 to vector<16xf32>
        %parallel_loop3A_406 = arith.mulf %parallel_loop3A_404, %parallel_loop3A_405 : vector<16xf32>
        %parallel_loop3A_407 = arith.addf %parallel_loop3A_398, %parallel_loop3A_406 : vector<16xf32>
        %parallel_loop3A_408 = arith.constant 2 : i32
        %parallel_loop3A_409 = arith.index_cast %parallel_loop3A_408 : i32 to index
        %parallel_loop3A_410 = arith.index_cast %parallel_loop3A_217 : i32 to index
        %parallel_loop3A_411 = arith.constant 64 : index
        %parallel_loop3A_412 = tpu.vector_load %arg11[%parallel_loop3A_409, %parallel_loop3A_410, %parallel_loop3A_411] {strides = array<i32>} : memref<4x64x128xf32, #tpu.memory_space<vmem>>, vector<1x1x16xf32>,
        %parallel_loop3A_413 = vector.shape_cast %parallel_loop3A_412 : vector<1x1x16xf32> to vector<16xf32>
        %parallel_loop3A_414 = vector.broadcast %parallel_loop3A_228 : f32 to vector<16xf32>
        %parallel_loop3A_415 = arith.mulf %parallel_loop3A_413, %parallel_loop3A_414 : vector<16xf32>
        %parallel_loop3A_416 = arith.addf %parallel_loop3A_407, %parallel_loop3A_415 : vector<16xf32>
        %parallel_loop3A_417 = arith.constant 3 : i32
        %parallel_loop3A_418 = arith.index_cast %parallel_loop3A_417 : i32 to index
        %parallel_loop3A_419 = arith.index_cast %parallel_loop3A_217 : i32 to index
        %parallel_loop3A_420 = arith.constant 64 : index
        %parallel_loop3A_421 = tpu.vector_load %arg11[%parallel_loop3A_418, %parallel_loop3A_419, %parallel_loop3A_420] {strides = array<i32>} : memref<4x64x128xf32, #tpu.memory_space<vmem>>, vector<1x1x16xf32>,
        %parallel_loop3A_422 = vector.shape_cast %parallel_loop3A_421 : vector<1x1x16xf32> to vector<16xf32>
        %parallel_loop3A_423 = vector.broadcast %parallel_loop3A_230 : f32 to vector<16xf32>
        %parallel_loop3A_424 = arith.mulf %parallel_loop3A_422, %parallel_loop3A_423 : vector<16xf32>
        %parallel_loop3A_425 = arith.addf %parallel_loop3A_416, %parallel_loop3A_424 : vector<16xf32>
        %parallel_loop3A_426 = arith.index_cast %parallel_loop3A_217 : i32 to index
        %parallel_loop3A_427 = arith.constant 64 : index
        %parallel_loop3A_428 = tpu.vector_load %arg13[%parallel_loop3A_426, %parallel_loop3A_427] {strides = array<i32>} : memref<64x128xf32, #tpu.memory_space<vmem>>, vector<1x16xf32>,
        %parallel_loop3A_429 = vector.shape_cast %parallel_loop3A_428 : vector<1x16xf32> to vector<16xf32>
        %parallel_loop3A_430 = vector.shape_cast %parallel_loop3A_425 : vector<16xf32> to vector<1x16xf32>
        tpu.vector_store %arg13[%parallel_loop3A_426, %parallel_loop3A_427], %parallel_loop3A_430 {strides = array<i32>} : memref<64x128xf32, #tpu.memory_space<vmem>>, vector<1x16xf32>,
        %parallel_loop3A_431 = arith.constant 0 : i32
        %parallel_loop3A_432 = arith.index_cast %parallel_loop3A_431 : i32 to index
        %parallel_loop3A_433 = arith.index_cast %parallel_loop3A_217 : i32 to index
        %parallel_loop3A_434 = arith.constant 80 : index
        %parallel_loop3A_435 = tpu.vector_load %arg11[%parallel_loop3A_432, %parallel_loop3A_433, %parallel_loop3A_434] {strides = array<i32>} : memref<4x64x128xf32, #tpu.memory_space<vmem>>, vector<1x1x16xf32>,
        %parallel_loop3A_436 = vector.shape_cast %parallel_loop3A_435 : vector<1x1x16xf32> to vector<16xf32>
        %parallel_loop3A_437 = vector.broadcast %parallel_loop3A_224 : f32 to vector<16xf32>
        %parallel_loop3A_438 = arith.mulf %parallel_loop3A_436, %parallel_loop3A_437 : vector<16xf32>
        %parallel_loop3A_439 = arith.constant 1 : i32
        %parallel_loop3A_440 = arith.index_cast %parallel_loop3A_439 : i32 to index
        %parallel_loop3A_441 = arith.index_cast %parallel_loop3A_217 : i32 to index
        %parallel_loop3A_442 = arith.constant 80 : index
        %parallel_loop3A_443 = tpu.vector_load %arg11[%parallel_loop3A_440, %parallel_loop3A_441, %parallel_loop3A_442] {strides = array<i32>} : memref<4x64x128xf32, #tpu.memory_space<vmem>>, vector<1x1x16xf32>,
        %parallel_loop3A_444 = vector.shape_cast %parallel_loop3A_443 : vector<1x1x16xf32> to vector<16xf32>
        %parallel_loop3A_445 = vector.broadcast %parallel_loop3A_226 : f32 to vector<16xf32>
        %parallel_loop3A_446 = arith.mulf %parallel_loop3A_444, %parallel_loop3A_445 : vector<16xf32>
        %parallel_loop3A_447 = arith.addf %parallel_loop3A_438, %parallel_loop3A_446 : vector<16xf32>
        %parallel_loop3A_448 = arith.constant 2 : i32
        %parallel_loop3A_449 = arith.index_cast %parallel_loop3A_448 : i32 to index
        %parallel_loop3A_450 = arith.index_cast %parallel_loop3A_217 : i32 to index
        %parallel_loop3A_451 = arith.constant 80 : index
        %parallel_loop3A_452 = tpu.vector_load %arg11[%parallel_loop3A_449, %parallel_loop3A_450, %parallel_loop3A_451] {strides = array<i32>} : memref<4x64x128xf32, #tpu.memory_space<vmem>>, vector<1x1x16xf32>,
        %parallel_loop3A_453 = vector.shape_cast %parallel_loop3A_452 : vector<1x1x16xf32> to vector<16xf32>
        %parallel_loop3A_454 = vector.broadcast %parallel_loop3A_228 : f32 to vector<16xf32>
        %parallel_loop3A_455 = arith.mulf %parallel_loop3A_453, %parallel_loop3A_454 : vector<16xf32>
        %parallel_loop3A_456 = arith.addf %parallel_loop3A_447, %parallel_loop3A_455 : vector<16xf32>
        %parallel_loop3A_457 = arith.constant 3 : i32
        %parallel_loop3A_458 = arith.index_cast %parallel_loop3A_457 : i32 to index
        %parallel_loop3A_459 = arith.index_cast %parallel_loop3A_217 : i32 to index
        %parallel_loop3A_460 = arith.constant 80 : index
        %parallel_loop3A_461 = tpu.vector_load %arg11[%parallel_loop3A_458, %parallel_loop3A_459, %parallel_loop3A_460] {strides = array<i32>} : memref<4x64x128xf32, #tpu.memory_space<vmem>>, vector<1x1x16xf32>,
        %parallel_loop3A_462 = vector.shape_cast %parallel_loop3A_461 : vector<1x1x16xf32> to vector<16xf32>
        %parallel_loop3A_463 = vector.broadcast %parallel_loop3A_230 : f32 to vector<16xf32>
        %parallel_loop3A_464 = arith.mulf %parallel_loop3A_462, %parallel_loop3A_463 : vector<16xf32>
        %parallel_loop3A_465 = arith.addf %parallel_loop3A_456, %parallel_loop3A_464 : vector<16xf32>
        %parallel_loop3A_466 = arith.index_cast %parallel_loop3A_217 : i32 to index
        %parallel_loop3A_467 = arith.constant 80 : index
        %parallel_loop3A_468 = tpu.vector_load %arg13[%parallel_loop3A_466, %parallel_loop3A_467] {strides = array<i32>} : memref<64x128xf32, #tpu.memory_space<vmem>>, vector<1x16xf32>,
        %parallel_loop3A_469 = vector.shape_cast %parallel_loop3A_468 : vector<1x16xf32> to vector<16xf32>
        %parallel_loop3A_470 = vector.shape_cast %parallel_loop3A_465 : vector<16xf32> to vector<1x16xf32>
        tpu.vector_store %arg13[%parallel_loop3A_466, %parallel_loop3A_467], %parallel_loop3A_470 {strides = array<i32>} : memref<64x128xf32, #tpu.memory_space<vmem>>, vector<1x16xf32>,
      } {sc.loop_unroll_factor = 4 : i64, sc.parallel_access}
      "tpu.region"() ({
        %run_scoped3A = tpu.sem_alloc : memref<!tpu.dma_semaphore, #tpu.memory_space<semaphore_mem>>
        %dma_start3A_217 = arith.constant 0 : i32
        %dma_start3A_218 = tpu.memref_slice %arg5[%add3A_173, %dma_start3A_217] : memref<200704x128xf32, #tpu.memory_space<hbm>> -> memref<64x128xf32, #tpu.memory_space<hbm>>
        %dma_start3A_219 = arith.constant 0 : i32
        %dma_start3A_220 = tpu.memref_slice %arg5[%add3A_173, %dma_start3A_219] : memref<200704x128xf32, #tpu.memory_space<hbm>> -> memref<64x128xf32, #tpu.memory_space<hbm>>
        tpu.enqueue_dma source(%arg13 : memref<64x128xf32, #tpu.memory_space<vmem>>) target(%dma_start3A_220 : memref<64x128xf32, #tpu.memory_space<hbm>>) target_semaphore(%run_scoped3A : memref<!tpu.dma_semaphore, #tpu.memory_space<semaphore_mem>>)
        %dma_wait3A_221 = arith.constant 0 : i32
        %dma_wait3A_222 = tpu.memref_slice %arg5[%add3A_173, %dma_wait3A_221] : memref<200704x128xf32, #tpu.memory_space<hbm>> -> memref<64x128xf32, #tpu.memory_space<hbm>>
        %dma_wait3A_223 = arith.constant 0 : i32
        %dma_wait3A_224 = tpu.memref_slice %arg5[%add3A_173, %dma_wait3A_223] : memref<200704x128xf32, #tpu.memory_space<hbm>> -> memref<64x128xf32, #tpu.memory_space<hbm>>
        tpu.wait_dma2 semaphore(%run_scoped3A : memref<!tpu.dma_semaphore, #tpu.memory_space<semaphore_mem>>) src(%arg13 : memref<64x128xf32, #tpu.memory_space<vmem>>) dst(%dma_wait3A_224 : memref<64x128xf32, #tpu.memory_space<hbm>>)
        tpu.yield
      }) : () -> ()
    }
    %scan3A_58 = arith.constant 49 : i32
    return
  }
}

</mosaic_0001>

<sc_bundles>
// kernel: _polar_sc.3.cloned.1.call-start
scs
__scs_entry_jumppad:
0x0: {  	(pc) =	sbr.rel $0x88, $3  }
0x1: {  	(tag) =	ssettag $0x0;
	lr =	simm.s32 $0x1  }
0x2: {  	[smem:$0x3F9E] =	sst lr;
	_ =	strace $0xD0000000  }
0x3: {  	_ = 	snop  }
0x4: {  	_ = 	snop  }
0x5: {  	_ = 	snop  }
0x6: {  	_ = 	snop  }
0x7: {  	_ = 	snop  }
__scs_overlays_trampoline_lowered:
0x8: {  	[smem:$0x3FAD] =	sst s0  }
0x9: {  	[smem:$0x3FAE] =	sst s1  }
0xa: {  	[smem:$0x3FAF] =	sst s2  }
0xb: {  	[smem:$0x3FB0] =	sst s3  }
0xc: {  	[smem:$0x3FB1] =	sst s4  }
0xd: {  	[smem:$0x3FB2] =	sst s5  }
0xe: {  	[smem:$0x3FB3] =	sst s6  }
0xf: {  	[smem:$0x3FB4] =	sst s7  }
0x10: {  	[smem:$0x3FB5] =	sst s8  }
0x11: {  	[smem:$0x3FB6] =	sst s9;
	s0 =	simm.s32 @!p0 $0x0  }
0x12: {  	s1 =	sld [smem:$0x3F9C];
	s0 =	simm.s32 @p0 $0x1  }
0x13: {  	[smem:$0x3FB7] =	sst s0;
	s0 =	simm.s32 @!p1 $0x0  }
0x14: {  	s2 =	sld [smem:$0x3F9B];
	s0 =	simm.s32 @p1 $0x1  }
0x15: {  	[smem:$0x3FB8] =	sst s0;
	s0 =	simm.s32 @!p2 $0x0  }
0x16: {  	s3 =	sld [smem:$0x3FDB];
	s0 =	simm.s32 @p2 $0x1  }
0x17: {  	s4 =	simm.s32 $0x1BF5;
	[smem:$0x3FBA] =	sst s0  }
0x18: {  	s0 =	sld [smem:$0x3F9D];
	_ =	swait.ge [sflag:s4], $0x0  }
0x19: {  	s7 =	sld [smem:$0x3F9E]  }
0x1a: {  	s8 =	sadd.s32 $0xFFFFE003, lr  }
0x1b: {  	s9 =	sadd.s32 $0xFFFFFEF7, lr;
	s5 =	simm.s32 $0xFFFFFFFF;
	p2 =	slt.u32 s8, $0xFFFFF086  }
0x1c: {  	p1 =	slt.u32 s9, $0xF7A;
	s5 =	simm.s32 @!p2 $0x0  }
0x1d: {  	s5 =	simm.s32 @p1 $0x1;
	p0 =	seq.s32 s7, s2  }
0x1e: {  	s7 =	smul.u32 @!p0 $0xF7A, s2;
	p2 =	seq.s32 @!p0 s5, $0x0  }
0x1f: {  	s9 =	smul.u32 $0xF7A, s1;
	s8 =	simm.s32 @!p0 $0x1BF5;
	p2 =	por !p2, p0  }
0x20: {  	[sflag:s8] =	ssyncset.s32 @!p0 $0xFFFFF086;
	s6 =	sadd.s32 @!p0 s3, s7;
	s7 =	simm.s32 @!p0 $0x108  }
0x21: {  	s3 =	sadd.s32 s3, s9;
	s6 =	sadd.s32 @!p0 $0x88, s6;
	s7 =	simm.s32 @p2 $0x1082  }
0x22: {  	[simem:s7], [sflag:s8] =	dma.local @!p0 [hbm:s6], $0xF7A  }
0x23: {  	s9 =	sor.u32 $0xD0000000, s2;
	s6 =	simm.s32 $0x108;
	_ =	swait.ge @!p0 [sflag:s8], $0x0  }
0x24: {  	s3 =	sadd.s32 $0x88, s3;
	s6 =	simm.s32 @!p1 $0x1082;
	[sflag:s4] =	ssyncset.s32 $0xFFFFF086  }
0x25: {  	[simem:s6], [sflag:s4] =	dma.local [hbm:s3], $0xF7A  }
0x26: {  	[smem:$0x3F9E] =	sst s1;
	(tag) =	ssettag s2;
	_ =	strace s9  }
0x27: {  	s1 =	sld [smem:$0x3FAE]  }
0x28: {  	s2 =	sld [smem:$0x3FAF]  }
0x29: {  	s4 =	sld [smem:$0x3FB1]  }
0x2a: {  	p0 =	seq.s32 s5, $0x0;
	s5 =	sld [smem:$0x3FB2]  }
0x2b: {  	s6 =	sld [smem:$0x3FB3]  }
0x2c: {  	s7 =	sld [smem:$0x3FB4]  }
0x2d: {  	s3 =	simm.s32 $0x108;
	s8 =	sld [smem:$0x3FB5]  }
0x2e: {  	s3 =	simm.s32 @!p0 $0x1082;
	s9 =	sld [smem:$0x3FB6]  }
0x2f: {  	lr =	sadd.s32 s0, s3;
	s0 =	sld [smem:$0x3FAD]  }
0x30: {  	s3 =	sld [smem:$0x3FB0]  }
0x31: {  	[smem:$0x3FB9] =	sst s10  }
0x32: {  	s10 =	sld [smem:$0x3FB7];
	_ =	sdelay $0x3  }
0x33: {  	p0 =	seq.s32 s10, $0x1;
	s10 =	sld [smem:$0x3FB9];
	_ =	sdelay $0x3  }
0x34: {  	[smem:$0x3FB9] =	sst s10  }
0x35: {  	s10 =	sld [smem:$0x3FB8];
	_ =	sdelay $0x3  }
0x36: {  	p1 =	seq.s32 s10, $0x1;
	s10 =	sld [smem:$0x3FB9];
	_ =	sdelay $0x3  }
0x37: {  	[smem:$0x3FB9] =	sst s10  }
0x38: {  	s10 =	sld [smem:$0x3FBA]  }
0x39: {  	_ = 	snop;
	(pc) =	sbr.ind lr, $3  }
0x3a: {  	_ = 	snop  }
0x3b: {  	_ = 	snop  }
0x3c: {  	p2 =	seq.s32 s10, $0x1;
	s10 =	sld [smem:$0x3FB9]  }
0x3d: {  	_ =	shalt  }
0x3e: {  	_ =	shalt  }
0x3f: {  	_ =	shalt  }
0x40: {  	_ =	shalt  }
0x41: {  	_ =	shalt  }
0x42: {  	_ =	shalt  }
0x43: {  	_ =	shalt  }
0x44: {  	_ =	shalt  }
0x45: {  	_ =	shalt  }
0x46: {  	_ =	shalt  }
0x47: {  	_ =	shalt  }
0x48: {  	_ =	shalt  }
0x49: {  	_ =	shalt  }
0x4a: {  	_ =	shalt  }
0x4b: {  	_ =	shalt  }
0x4c: {  	_ =	shalt  }
0x4d: {  	_ =	shalt  }
0x4e: {  	_ =	shalt  }
0x4f: {  	_ =	shalt  }
0x50: {  	_ =	shalt  }
0x51: {  	_ =	shalt  }
0x52: {  	_ =	shalt  }
0x53: {  	_ =	shalt  }
0x54: {  	_ =	shalt  }
0x55: {  	_ =	shalt  }
0x56: {  	_ =	shalt  }
0x57: {  	_ =	shalt  }
0x58: {  	_ =	shalt  }
0x59: {  	_ =	shalt  }
0x5a: {  	_ =	shalt  }
0x5b: {  	_ =	shalt  }
0x5c: {  	_ =	shalt  }
0x5d: {  	_ =	shalt  }
0x5e: {  	_ =	shalt  }
0x5f: {  	_ =	shalt  }
0x60: {  	_ =	shalt  }
0x61: {  	_ =	shalt  }
0x62: {  	_ =	shalt  }
0x63: {  	_ =	shalt  }
0x64: {  	_ =	shalt  }
0x65: {  	_ =	shalt  }
0x66: {  	_ =	shalt  }
0x67: {  	_ =	shalt  }
0x68: {  	_ =	shalt  }
0x69: {  	_ =	shalt  }
0x6a: {  	_ =	shalt  }
0x6b: {  	_ =	shalt  }
0x6c: {  	_ =	shalt  }
0x6d: {  	_ =	shalt  }
0x6e: {  	_ =	shalt  }
0x6f: {  	_ =	shalt  }
0x70: {  	_ =	shalt  }
0x71: {  	_ =	shalt  }
0x72: {  	_ =	shalt  }
0x73: {  	_ =	shalt  }
0x74: {  	_ =	shalt  }
0x75: {  	_ =	shalt  }
0x76: {  	_ =	shalt  }
0x77: {  	_ =	shalt  }
0x78: {  	_ =	shalt  }
0x79: {  	_ =	shalt  }
0x7a: {  	_ =	shalt  }
0x7b: {  	_ =	shalt  }
0x7c: {  	_ =	shalt  }
0x7d: {  	_ =	shalt  }
0x7e: {  	_ =	shalt  }
0x7f: {  	_ =	shalt  }
0x80: {  	_ =	shalt  }
0x81: {  	_ =	shalt  }
0x82: {  	_ =	shalt  }
0x83: {  	_ =	shalt  }
0x84: {  	_ =	shalt  }
0x85: {  	_ =	shalt  }
0x86: {  	_ =	shalt  }
0x87: {  	_ =	shalt  }
.Lfunc_end0:
.L_simem_size_0:
called_computation_lowered:
.L_overlay_start_0:
0x88: {  	s2 =	sld [smem:$0x3FD9]  }
0x89: {  	s3 =	sld [smem:$0x3FFE];
	_ =	sdelay $0x1  }
0x8a: {  	s1 =	srdreg.scid  }
0x8b: {  	s0 =	sand.u32 $0x1, s1  }
0x8c: {  	s18 =	sshll.u32 s0, $0xA;
	s2 =	sadd.s32 s3, s2  }
0x8d: {  	s2 =	sadd.s32 s2, s18  }
0x8e: {  	[smem:$0x3FC5] =	sst s2  }
0x8f: {  	_ = 	snop  }
0x90: {  	s2 =	sld [smem:$0x3FC9]  }
0x91: {  	s19 =	sld [smem:$0x3FC8]  }
0x92: {  	s4 =	sld [smem:$0x3FC7]  }
0x93: {  	s5 =	sld [smem:$0x3FD0];
	(tm) =	ssettm $0x1  }
0x94: {  	s6 =	sld [smem:$0x3FFB];
	_ =	sdelay $0x3  }
0x95: {  	_ =	strace s6  }
0x96: {  	s6 =	sld [smem:$0x3FFC];
	_ =	sdelay $0x3  }
0x97: {  	_ =	strace s6  }
0x98: {  	s6 =	sld [smem:$0x3FFD];
	_ =	sdelay $0x3  }
0x99: {  	_ =	strace s6  }
0x9a: {  	_ =	strace $0x8FFFFFFF  }
0x9b: {  	s20 =	sld [smem:$0x3FDB];
	_ =	sdelay $0x1  }
0x9c: {  	s7 =	simm.s32 $_scs_section_size  }
0x9d: {  	s8 =	simm.s32 $_size__tile_overlayer_lowered;
	s9 =	simm.s32 $_tile_overlayer_lowered  }
0x9e: {  	s23 =	simm.s32 $0x1BFF;
	s22 =	sshll.u32 s9, $0x1;
	s6 =	sadd.s32 s7, s20  }
0x9f: {  	s10 =	simm.s32 $0x0;
	s21 =	sshll.u32 s8, $0x1;
	s8 =	sadd.s32 s22, s6  }
0xa0: {  	[timem:s10], [sflag:s23] =	dma.local [hbm:s8], s21  }
0xa1: {  	_ =	swait.ge [sflag:s23], s21  }
0xa2: {  	s7 =	ssub.s32 $0x0, s21;
	[sflag:s23] =	ssyncset.done $0x0  }
0xa3: {  	[sflag:s23] =	ssyncadd.s32 s7;
	_ =	sdelay $0x1  }
0xa4: {  	s24 =	simm.s32 $0x1B8B  }
0xa5: {  	_ =	swait.ge [sflag:s24], $0x1  }
0xa6: {  	[sflag:s24] =	ssyncset.done $0x0  }
0xa7: {  	s25 =	simm.s32 $0x1B8E;
	[sflag:s24] =	ssyncadd.s32 $0xFFFFFFFF  }
0xa8: {  	s26 =	simm.s32 $execute0_lowered;
	[smem:$0x3FD2] =	sst s25  }
0xa9: {  	s7 =	sshll.u32 s26, $0x1;
	_ =	strace $0x80000046;
	[dreg:$0x1] =	wrdreg $0xFFFFFFFF  }
0xaa: {  	s28 =	simm.s32 $_size_execute0_lowered;
	s6 =	sadd.s32 s6, s7;
	[dreg:$0x0] =	wrdreg $0x0  }
0xab: {  	s7 =	sshll.u32 s28, $0x1;
	[dreg:$0x2] =	wrdreg s6  }
0xac: {  	[dreg:$0x3] =	wrdreg s7  }
0xad: {  	[dreg:$0x4] =	wrdreg $0xC0  }
0xae: {  	_ =	task [dreg:s10], $0x5FFFF  }
0xaf: {  	[dreg:$0x1] =	wrdreg $0xFFFFFFFF  }
0xb0: {  	[dreg:$0x0] =	wrdreg $0x60  }
0xb1: {  	[dreg:$0x2] =	wrdreg s2  }
0xb2: {  	[dreg:$0x3] =	wrdreg s19  }
0xb3: {  	[dreg:$0x4] =	wrdreg s4  }
0xb4: {  	[dreg:$0x5] =	wrdreg s5  }
0xb5: {  	[dreg:$0x6] =	wrdreg $0x9  }
0xb6: {  	_ =	task.clear_ibuf [dreg:s10], $0x7FFFF;
	_ =	strace $0x90000046  }
0xb7: {  	s29 =	simm.s32 $0x9;
	_ =	strace $0x80000048  }
0xb8: {  	_ =	swait.ge [sflag:s29], $0x1  }
0xb9: {  	[sflag:s29] =	ssyncadd.s32 $0xFFFFFFFF  }
0xba: {  	_ =	strace $0x90000048  }
0xbb: {  	_ =	sfence  }
0xbc: {  	s30 =	sld [smem:$0x0];
	_ =	sdelay $0x2  }
0xbd: {  	s31 =	sshll.u32 s1, $0xD;
	s1 =	sshrl.u32 s1, $0x2  }
0xbe: {  	s3 =	sand.u32 $0x4000, s31;
	s1 =	sadd.s32 s1, s30  }
0xbf: {  	s0 =	sor.u32 s3, s0;
	s1 =	sshll.u32 s1, $0x11  }
0xc0: {  	s0 =	sor.u32 s1, s0  }
0xc1: {  	s0 =	sadd.s32 $0x8F2B, s0  }
0xc2: {  	[sflag:s0] =	ssyncadd.remote.s32 $0x1  }
0xc3: {  	_ =	sfence.sel $0xFFFF  }
0xc4: {  	[dreg:$0x0] =	wrdreg $0xFFFFFFFF;
	(pc) =	sbr.abs _section_cstart, $3  }
0xc5: {  	[dreg:$0x1] =	wrdreg $0xFFFFFFFF  }
0xc6: {  	_ =	task.clear_ibuf [dreg:s10], $0x2FFFF;
	_ =	strace $0x9FFFFFFF  }
0xc7: {  	(tm) =	ssettm $0x7FFFFFFF  }
tec
execute0_lowered:
.L_overlay_start_1:
0x0: {  	(tag) =	ssettag $0x1  }
0x1: {  	s1 =	rddreg [dreg:$0x0]  }
0x2: {  	s2 =	rddreg [dreg:$0x1];
	s0 =	srdreg.scid  }
0x3: {  	s3 =	stileid.u32;
	s4 =	rddreg [dreg:$0x2]  }
0x4: {  	s5 =	rddreg [dreg:$0x3];
	s6 =	simm.s32 $0x0;
	s16 =	simm.s32 $0x3  }
0x5: {  	s17 =	simm.s32 $0x40;
	s25 =	simm.s32 $0x100;
	s28 =	simm.s32 $0x180  }
0x6: {  	s29 =	simm.s32 $0x1C0;
	s31 =	simm.s32 $0x8420;
	s20 =	simm.s32 $0xE420  }
0x7: {  	s21 =	simm.s32 $0x1;
	s0 =	sand.u32 $0x1, s0;
	s3 =	sshll.u32 s3, $0x1  }
0x8: {  	s22 =	simm.s32 $0x10420;
	s23 =	simm.s32 $0x2;
	s3 =	sor.u32 s0, s3  }
0x9: {  	s24 =	simm.s32 $0x12420;
	s0 =	ssub.s32 $0x2, s0;
	s26 =	smul.u32 $0xC40, s3  }
0xa: {  	[smem:$0x7FF] =	sst s6;
	s7 =	smul.u32 $0x1880, s3;
	s8 =	sshrl.u32 s0, $0x1  }
0xb: {  	_ =	strace $0x80000047;
	s0 =	ssub.s32 s0, s8;
	s8 =	sadd.s32 s4, s26  }
0xc: {  	s9 =	sshrl.u32 s7, $0x3;
	s0 =	smax.u32 s0, $0x1;
	[dreg:$0x9] =	wrdreg s8  }
0xd: {  	s13 =	smul.u32 $0xC4000, s3;
	s9 =	sadd.s32 s2, s9;
	[dreg:$0xa] =	wrdreg s0  }
0xe: {  	s3 =	simm.s32 $0xA420;
	s10 =	sadd.s32 $0x6200, s9;
	[dreg:$0x5] =	wrdreg s9  }
0xf: {  	s14 =	sadd.s32 $0x80, s7;
	s30 =	sadd.s32 $0xC400, s9;
	[dreg:$0x6] =	wrdreg s10  }
0x10: {  	s26 =	simm.s32 $0x140;
	s9 =	sadd.s32 $0x12600, s9;
	[dreg:$0x7] =	wrdreg s30  }
0x11: {  	s0 =	simm.s32 $0xC420;
	[dreg:$0x8] =	wrdreg s9;
	s9 =	simm.s32 $0x0  }
.LBB2_1:
0x12: {  	[dreg:$0xb] =	wrdreg s9  }
0x13: {  	s8 =	rddreg [dreg:$0x5]  }
0x14: {  	[tilespmem:s6], [sflag:$0x3] =	stream.linear.gather [hbm4b:s8+s6], $0x40, $0x38;
	[tilespmem:$0x14420] =	vst v63  }
0x15: {  	_ =	swait.ge [sflag:s16], $0x40  }
0x16: {  	[sflag:s16] =	ssyncset.done $0x0  }
0x17: {  	s18 =	rddreg [dreg:$0x6];
	[sflag:s16] =	ssyncadd.s32 $0xFFFFFFC0  }
0x18: {  	[tilespmem:s17], [sflag:$0x3] =	stream.linear.gather [hbm4b:s18+s6], $0x40, $0x38;
	[tilespmem:$0x14420] =	vst v63  }
0x19: {  	_ =	swait.ge [sflag:s16], $0x40  }
0x1a: {  	[sflag:s16] =	ssyncset.done $0x0  }
0x1b: {  	s30 =	simm.s32 $0x80;
	s19 =	rddreg [dreg:$0x7];
	[sflag:s16] =	ssyncadd.s32 $0xFFFFFFC0  }
0x1c: {  	[tilespmem:s30], [sflag:$0x3] =	stream.linear.gather [hbm4b:s19+s6], $0x40, $0x38;
	[tilespmem:$0x14420] =	vst v63  }
0x1d: {  	_ =	swait.ge [sflag:s16], $0x40  }
0x1e: {  	[sflag:s16] =	ssyncset.done $0x0  }
0x1f: {  	s10 =	simm.s32 $0xC0;
	s11 =	rddreg [dreg:$0x8];
	[sflag:s16] =	ssyncadd.s32 $0xFFFFFFC0  }
0x20: {  	[tilespmem:s10], [sflag:$0x3] =	stream.linear.gather [hbm4b:s11+s6], $0x40, $0x38;
	[tilespmem:$0x14420] =	vst v63  }
0x21: {  	_ =	swait.ge [sflag:s16], $0x40  }
0x22: {  	[sflag:s16] =	ssyncset.done $0x0  }
0x23: {  	s11 =	simm.s32 $0x200;
	s12 =	rddreg [dreg:$0x9];
	[sflag:s16] =	ssyncadd.s32 $0xFFFFFFC0  }
0x24: {  	[tilespmem:s11], [sflag:$0x3] =	stream.linear.gather [hbm4b:s12+s6], $0x100, $0x38;
	[tilespmem:$0x14420] =	vst v63  }
0x25: {  	_ =	swait.ge [sflag:s16], $0x100  }
0x26: {  	[sflag:s16] =	ssyncset.done $0x0  }
0x27: {  	s15 =	simm.s32 $0x420;
	[sflag:s16] =	ssyncadd.s32 $0xFFFFFF00  }
0x28: {  	[tilespmem:s15], [sflag:$0x1] =	stream.indirect.gather [hbm4b:s1+s17], $0x80, s6, s17, $0xb8;
	[tilespmem:$0x14420] =	vst v63  }
0x29: {  	s18 =	simm.s32 $0x2420  }
0x2a: {  	[tilespmem:s18], [sflag:$0x1] =	stream.indirect.gather [hbm4b:s1+s17], $0x80, s17, s17, $0xb8;
	[tilespmem:$0x14420] =	vst v63  }
0x2b: {  	s19 =	simm.s32 $0x4420  }
0x2c: {  	[tilespmem:s19], [sflag:$0x1] =	stream.indirect.gather [hbm4b:s1+s17], $0x80, s30, s17, $0xb8;
	[tilespmem:$0x14420] =	vst v63  }
0x2d: {  	s30 =	simm.s32 $0x6420;
	s19 =	simm.s32 $0x0  }
0x2e: {  	[tilespmem:s30], [sflag:$0x1] =	stream.indirect.gather [hbm4b:s1+s17], $0x80, s10, s17, $0xb8;
	[tilespmem:$0x14420] =	vst v63  }
.LBB2_2:
0x2f: {  	s10 =	sshll.u32 s19, $0x7  }
0x30: {  	s8 =	sadd.s32 s10, s7  }
0x31: {  	s9 =	sadd.s32 $0x40, s8  }
0x32: {  	s8 =	sshrl.u32 s9, $0x3  }
0x33: {  	s11 =	simm.s32 $0x0;
	s8 =	sadd.s32 s2, s8  }
0x34: {  	[tilespmem:s25], [sflag:$0x3] =	stream.linear.gather [hbm4b:s8+s11], $0x40, $0x38;
	[tilespmem:$0x14420] =	vst v63  }
0x35: {  	_ =	swait.ge [sflag:s16], $0x40  }
0x36: {  	[sflag:s16] =	ssyncset.done $0x0  }
0x37: {  	s12 =	sadd.s32 $0x6200, s8;
	[sflag:s16] =	ssyncadd.s32 $0xFFFFFFC0  }
0x38: {  	[tilespmem:s26], [sflag:$0x3] =	stream.linear.gather [hbm4b:s12+s11], $0x40, $0x38;
	[tilespmem:$0x14420] =	vst v63  }
0x39: {  	_ =	swait.ge [sflag:s16], $0x40  }
0x3a: {  	[sflag:s16] =	ssyncset.done $0x0  }
0x3b: {  	s30 =	sadd.s32 $0xC400, s8;
	[sflag:s16] =	ssyncadd.s32 $0xFFFFFFC0  }
0x3c: {  	[tilespmem:s28], [sflag:$0x3] =	stream.linear.gather [hbm4b:s30+s11], $0x40, $0x38;
	[tilespmem:$0x14420] =	vst v63  }
0x3d: {  	_ =	swait.ge [sflag:s16], $0x40  }
0x3e: {  	[sflag:s16] =	ssyncset.done $0x0  }
0x3f: {  	s8 =	sadd.s32 $0x12600, s8;
	[sflag:s16] =	ssyncadd.s32 $0xFFFFFFC0  }
0x40: {  	[tilespmem:s29], [sflag:$0x3] =	stream.linear.gather [hbm4b:s8+s11], $0x40, $0x38;
	[tilespmem:$0x14420] =	vst v63  }
0x41: {  	_ =	swait.ge [sflag:s16], $0x40  }
0x42: {  	s15 =	sshrl.u32 s9, $0x1;
	[sflag:s16] =	ssyncset.done $0x0  }
0x43: {  	s18 =	simm.s32 $0x310;
	s8 =	sadd.s32 s4, s15;
	[sflag:s16] =	ssyncadd.s32 $0xFFFFFFC0  }
0x44: {  	[tilespmem:s18], [sflag:$0x3] =	stream.linear.gather [hbm4b:s8+s11], $0x100, $0x38;
	[tilespmem:$0x14420] =	vst v63  }
0x45: {  	_ =	swait.ge [sflag:s16], $0x100  }
0x46: {  	[sflag:s16] =	ssyncset.done $0x0  }
0x47: {  	[sflag:s16] =	ssyncadd.s32 $0xFFFFFF00  }
0x48: {  	[tilespmem:s31], [sflag:$0x2] =	stream.indirect.gather [hbm4b:s1+s17], $0x80, s25, s17, $0xb8;
	[tilespmem:$0x14420] =	vst v63  }
0x49: {  	_ = 	snop  }
0x4a: {  	[tilespmem:s3], [sflag:$0x2] =	stream.indirect.gather [hbm4b:s1+s17], $0x80, s26, s17, $0xb8;
	[tilespmem:$0x14420] =	vst v63  }
0x4b: {  	_ = 	snop  }
0x4c: {  	[tilespmem:s0], [sflag:$0x2] =	stream.indirect.gather [hbm4b:s1+s17], $0x80, s28, s17, $0xb8;
	[tilespmem:$0x14420] =	vst v63  }
0x4d: {  	_ = 	snop  }
0x4e: {  	[tilespmem:s20], [sflag:$0x2] =	stream.indirect.gather [hbm4b:s1+s17], $0x80, s29, s17, $0xb8;
	[tilespmem:$0x14420] =	vst v63  }
0x4f: {  	_ =	swait.ge [sflag:s21], $0x2000  }
0x50: {  	[sflag:s21] =	ssyncset.done $0x0  }
0x51: {  	[sflag:s21] =	ssyncadd.s32 $0xFFFFE000  }
0x52: {  	_ =	swait.ge [sflag:s21], $0x2000  }
0x53: {  	[sflag:s21] =	ssyncset.done $0x0  }
0x54: {  	[sflag:s21] =	ssyncadd.s32 $0xFFFFE000  }
0x55: {  	_ =	swait.ge [sflag:s21], $0x2000  }
0x56: {  	[sflag:s21] =	ssyncset.done $0x0  }
0x57: {  	[sflag:s21] =	ssyncadd.s32 $0xFFFFE000  }
0x58: {  	_ =	swait.ge [sflag:s21], $0x2000  }
0x59: {  	[sflag:s21] =	ssyncset.done $0x0  }
0x5a: {  	s30 =	simm.s32 $0x208;
	[sflag:s21] =	ssyncadd.s32 $0xFFFFE000  }
0x5b: {  	s11 =	simm.s32 $0x0;
	v0 =	vld [tilespmem:s30+$0x4]  }
0x5c: {  	v5 =	vld [tilespmem:s11+$0x5F0]  }
0x5d: {  	v6 =	vld [tilespmem:s11+$0x25F0]  }
0x5e: {  	v3 =	vld [tilespmem:s30+$0xFFFFFFFC]  }
0x5f: {  	v7 =	vld [tilespmem:s11+$0x45F0]  }
0x60: {  	v2 =	vld [tilespmem:s30+$0x0]  }
0x61: {  	v8 =	vld [tilespmem:s11+$0x65F0]  }
0x62: {  	v4 =	vld [tilespmem:s30+$0xFFFFFFF8]  }
0x63: {  	v9 =	vld [tilespmem:s11+$0x420]  }
0x64: {  	v10 =	vld [tilespmem:s11+$0x2420]  }
0x65: {  	v11 =	vld [tilespmem:s11+$0x430]  }
0x66: {  	v12 =	vld [tilespmem:s11+$0x2430]  }
0x67: {  	v13 =	vld [tilespmem:s11+$0x440]  }
0x68: {  	v14 =	vld [tilespmem:s11+$0x2440]  }
0x69: {  	v15 =	vld [tilespmem:s11+$0x450]  }
0x6a: {  	v16 =	vld [tilespmem:s11+$0x2450]  }
0x6b: {  	v17 =	vld [tilespmem:s11+$0x460]  }
0x6c: {  	v18 =	vld [tilespmem:s11+$0x2460]  }
0x6d: {  	v19 =	vld [tilespmem:s11+$0x470]  }
0x6e: {  	v20 =	vld [tilespmem:s11+$0x2470]  }
0x6f: {  	v21 =	vld [tilespmem:s11+$0x4A0]  }
0x70: {  	v22 =	vld [tilespmem:s11+$0x24A0]  }
0x71: {  	v23 =	vld [tilespmem:s11+$0x4B0]  }
0x72: {  	v24 =	vld [tilespmem:s11+$0x24B0]  }
0x73: {  	v25 =	vld [tilespmem:s11+$0x4C0]  }
0x74: {  	v26 =	vld [tilespmem:s11+$0x24C0]  }
0x75: {  	v27 =	vld [tilespmem:s11+$0x4D0]  }
0x76: {  	v28 =	vld [tilespmem:s11+$0x24D0]  }
0x77: {  	v29 =	vld [tilespmem:s11+$0x4E0]  }
0x78: {  	v30 =	vld [tilespmem:s11+$0x24E0]  }
0x79: {  	v31 =	vld [tilespmem:s11+$0x4F0]  }
0x7a: {  	v32 =	vld [tilespmem:s11+$0x24F0]  }
0x7b: {  	v33 =	vld [tilespmem:s11+$0x520]  }
0x7c: {  	v36 =	vld [tilespmem:s11+$0x2520]  }
0x7d: {  	v37 =	vld [tilespmem:s11+$0x530]  }
0x7e: {  	v38 =	vld [tilespmem:s11+$0x2530]  }
0x7f: {  	v39 =	vld [tilespmem:s11+$0x540]  }
0x80: {  	v40 =	vld [tilespmem:s11+$0x550];
	v34 =	vbroadcast v0, $0x0  }
0x81: {  	v41 =	vld [tilespmem:s11+$0x560];
	v35 =	vbroadcast v0, $0x1;
	v1 =	vbroadcast v0, $0x2  }
0x82: {  	v42 =	vld [tilespmem:s11+$0x570];
	v0 =	vbroadcast v0, $0x3;
	v43 =	vbroadcast v3, $0x0  }
0x83: {  	v46 =	vld [tilespmem:s11+$0x5A0];
	v44 =	vbroadcast v3, $0x1;
	v45 =	vbroadcast v2, $0x0  }
0x84: {  	v49 =	vld [tilespmem:s11+$0x25A0];
	v47 =	vbroadcast v4, $0x0;
	v48 =	vbroadcast v4, $0x1  }
0x85: {  	v52 =	vld [tilespmem:s11+$0x5B0];
	v50 =	vbroadcast v2, $0x1;
	v51 =	vbroadcast v4, $0x2  }
0x86: {  	v53 =	vld [tilespmem:s11+$0x25B0];
	v4 =	vbroadcast v4, $0x3;
	v5 =	vmul.f32 v5, v34  }
0x87: {  	v54 =	vld [tilespmem:s11+$0x5C0];
	v6 =	vmul.f32 v6, v35;
	v9 =	vmul.f32 v47, v9  }
0x88: {  	v55 =	vld [tilespmem:s11+$0x25C0];
	v10 =	vmul.f32 v10, v48;
	v11 =	vmul.f32 v11, v47  }
0x89: {  	v56 =	vld [tilespmem:s11+$0x5D0];
	v12 =	vmul.f32 v12, v48;
	v13 =	vmul.f32 v13, v47  }
0x8a: {  	v14 =	vmul.f32 v14, v48;
	v61 =	vmul.f32 v22, v44;
	v22 =	vld [tilespmem:s11+$0x25E0]  }
0x8b: {  	v15 =	vmul.f32 v15, v47;
	v62 =	vmul.f32 v24, v44;
	v24 =	vld [tilespmem:s11+$0x4420]  }
0x8c: {  	v16 =	vmul.f32 v16, v48;
	v63 =	vmul.f32 v26, v44;
	v26 =	vld [tilespmem:s11+$0x4430]  }
0x8d: {  	v57 =	vmul.f32 v31, v43;
	v31 =	vld [tilespmem:s11+$0x4450];
	v58 =	vmul.f32 v30, v44  }
0x8e: {  	v59 =	vmul.f32 v32, v44;
	v32 =	vld [tilespmem:s11+$0x4460];
	v60 =	vmul.f32 v45, v33;
	v5 =	vadd.f32 v6, v5  }
0x8f: {  	v6 =	vmul.f32 v7, v1;
	v7 =	vld [tilespmem:s11+$0x2540];
	v9 =	vadd.f32 v10, v9;
	v10 =	vmul.f32 v17, v47  }
0x90: {  	v17 =	vmul.f32 v19, v47;
	v19 =	vld [tilespmem:s11+$0x25D0];
	v11 =	vadd.f32 v12, v11;
	v12 =	vmul.f32 v18, v48  }
0x91: {  	v18 =	vmul.f32 v20, v48;
	v20 =	vld [tilespmem:s11+$0x5E0];
	v13 =	vadd.f32 v14, v13;
	v14 =	vmul.f32 v43, v21  }
0x92: {  	v15 =	vadd.f32 v16, v15;
	v16 =	vmul.f32 v23, v43;
	v47 =	vmul.f32 v28, v44;
	v28 =	vld [tilespmem:s11+$0x4440]  }
0x93: {  	v48 =	vmul.f32 v29, v43;
	v29 =	vadd.f32 v59, v57;
	v57 =	vmul.f32 v41, v45;
	v44 =	vld [tilespmem:s11+$0x44F0]  }
0x94: {  	v59 =	vmul.f32 v34, v46;
	v46 =	vld [tilespmem:s11+$0x4520];
	v5 =	vadd.f32 v6, v5;
	v6 =	vmul.f32 v8, v0  }
0x95: {  	v8 =	vld [tilespmem:s11+$0x2550];
	v10 =	vadd.f32 v12, v10;
	v12 =	vmul.f32 v25, v43;
	v17 =	vadd.f32 v18, v17  }
0x96: {  	v18 =	vmul.f32 v27, v43;
	v14 =	vadd.f32 v61, v14;
	v61 =	vmul.f32 v36, v50;
	v36 =	vld [tilespmem:s11+$0x4470]  }
0x97: {  	v21 =	vadd.f32 v58, v48;
	v48 =	vmul.f32 v40, v45;
	v40 =	vld [tilespmem:s11+$0x44C0];
	v5 =	vadd.f32 v6, v5  }
0x98: {  	v16 =	vadd.f32 v62, v16;
	v62 =	vmul.f32 v37, v45;
	v58 =	vmul.f32 v42, v45;
	v42 =	vld [tilespmem:s11+$0x44D0]  }
0x99: {  	v22 =	vmul.f32 v22, v35;
	v24 =	vmul.f32 v24, v51;
	v12 =	vadd.f32 v63, v12;
	[tilespmem:s11+$0x105F0] =	vst v5;
	v5 =	vld [tilespmem:s11+$0x2570]  }
0x9a: {  	v37 =	vld [tilespmem:s11+$0x44E0];
	v18 =	vadd.f32 v47, v18;
	v63 =	vmul.f32 v38, v50;
	v47 =	vmul.f32 v39, v45  }
0x9b: {  	v43 =	vld [tilespmem:s11+$0x4560];
	v25 =	vadd.f32 v61, v60;
	v60 =	vmul.f32 v49, v35;
	v61 =	vmul.f32 v52, v34  }
0x9c: {  	v6 =	vld [tilespmem:s11+$0x2560];
	v52 =	vmul.f32 v55, v35;
	v7 =	vmul.f32 v7, v50  }
0x9d: {  	v38 =	vld [tilespmem:s11+$0x44A0];
	v20 =	vmul.f32 v20, v34;
	v19 =	vmul.f32 v19, v35  }
0x9e: {  	v39 =	vld [tilespmem:s11+$0x44B0];
	v9 =	vadd.f32 v24, v9;
	v27 =	vadd.f32 v63, v62;
	v5 =	vmul.f32 v5, v50  }
0x9f: {  	v55 =	vld [tilespmem:s11+$0x4550];
	v62 =	vmul.f32 v53, v35;
	v63 =	vmul.f32 v54, v34;
	v23 =	vadd.f32 v60, v59  }
0xa0: {  	v53 =	vld [tilespmem:s11+$0x4530];
	v8 =	vmul.f32 v8, v50;
	v41 =	vadd.f32 v5, v58;
	v5 =	vmul.f32 v56, v34  }
0xa1: {  	v54 =	vld [tilespmem:s11+$0x4540];
	v7 =	vadd.f32 v7, v47;
	v20 =	vadd.f32 v22, v20;
	v59 =	vmul.f32 v36, v51  }
0xa2: {  	v22 =	vld [tilespmem:s11+$0x4570];
	v30 =	vadd.f32 v62, v61;
	v19 =	vadd.f32 v19, v5;
	v5 =	vmul.f32 v26, v51  }
0xa3: {  	v36 =	vld [tilespmem:s11+$0x45E0];
	v33 =	vadd.f32 v52, v63;
	v62 =	vbroadcast v2, $0x2;
	v6 =	vmul.f32 v6, v50  }
0xa4: {  	v63 =	vld [tilespmem:s11+$0x6420];
	v56 =	vbroadcast v3, $0x2;
	v11 =	vadd.f32 v5, v11;
	v5 =	vmul.f32 v31, v51  }
0xa5: {  	v52 =	vld [tilespmem:s11+$0x6440];
	v8 =	vadd.f32 v8, v48;
	v6 =	vadd.f32 v6, v57;
	v57 =	vmul.f32 v28, v51  }
0xa6: {  	v28 =	vld [tilespmem:s11+$0x45A0];
	v53 =	vmul.f32 v53, v62;
	v15 =	vadd.f32 v5, v15;
	v5 =	vmul.f32 v39, v56  }
0xa7: {  	v17 =	vadd.f32 v59, v17;
	v50 =	vld [tilespmem:s11+$0x6430];
	v22 =	vmul.f32 v22, v62;
	v58 =	vmul.f32 v32, v51  }
0xa8: {  	v32 =	vld [tilespmem:s11+$0x45B0];
	v13 =	vadd.f32 v57, v13;
	v16 =	vadd.f32 v5, v16;
	v5 =	vmul.f32 v42, v56  }
0xa9: {  	v34 =	vmul.f32 v54, v62;
	v54 =	vld [tilespmem:s11+$0x6450];
	v24 =	vadd.f32 v53, v27;
	v60 =	vmul.f32 v38, v56  }
0xaa: {  	v57 =	vld [tilespmem:s11+$0x6470];
	v61 =	vmul.f32 v40, v56;
	v18 =	vadd.f32 v5, v18;
	v5 =	vmul.f32 v44, v56  }
0xab: {  	v38 =	vld [tilespmem:s11+$0x45C0];
	v49 =	vmul.f32 v37, v56;
	v56 =	vadd.f32 v34, v7;
	v7 =	vmul.f32 v63, v4  }
0xac: {  	v10 =	vadd.f32 v58, v10;
	v29 =	vadd.f32 v5, v29;
	v5 =	vmul.f32 v55, v62;
	v55 =	vld [tilespmem:s11+$0x6460]  }
0xad: {  	v58 =	vmul.f32 v43, v62;
	v31 =	vld [tilespmem:s11+$0x45D0];
	v14 =	vadd.f32 v60, v14;
	v7 =	vadd.f32 v7, v9  }
0xae: {  	v60 =	vld [tilespmem:s11+$0x64A0];
	v9 =	vmul.f32 v52, v4;
	v59 =	vadd.f32 v5, v8;
	v8 =	vmul.f32 v50, v4  }
0xaf: {  	v3 =	vbroadcast v3, $0x3;
	v12 =	vadd.f32 v61, v12;
	v61 =	vld [tilespmem:s11+$0x64B0];
	v5 =	vadd.f32 v58, v6  }
0xb0: {  	[tilespmem:s11+$0x10420] =	vst v7;
	v7 =	vadd.f32 v9, v13;
	v6 =	vadd.f32 v8, v11;
	v8 =	vmul.f32 v54, v4;
	v11 =	vld [tilespmem:s11+$0x64C0]  }
0xb1: {  	v51 =	vmul.f32 v46, v62;
	v21 =	vadd.f32 v49, v21;
	v13 =	vld [tilespmem:s11+$0x64D0];
	v9 =	vmul.f32 v55, v4  }
0xb2: {  	v62 =	vbroadcast v2, $0x3;
	[tilespmem:s11+$0x10440] =	vst v7;
	v4 =	vmul.f32 v57, v4;
	v2 =	vadd.f32 v8, v15;
	v8 =	vld [tilespmem:s11+$0x64E0]  }
0xb3: {  	v25 =	vadd.f32 v51, v25;
	[tilespmem:s11+$0x10430] =	vst v6;
	v7 =	vadd.f32 v9, v10;
	v9 =	vmul.f32 v60, v3;
	v10 =	vld [tilespmem:s11+$0x64F0]  }
0xb4: {  	v63 =	vmul.f32 v32, v1;
	[tilespmem:s11+$0x10450] =	vst v2;
	v2 =	vadd.f32 v4, v17;
	v4 =	vmul.f32 v61, v3;
	v17 =	vld [tilespmem:s11+$0x6520]  }
0xb5: {  	v15 =	vmul.f32 v28, v1;
	[tilespmem:s11+$0x10460] =	vst v7;
	v9 =	vadd.f32 v9, v14;
	v11 =	vmul.f32 v11, v3;
	v14 =	vld [tilespmem:s11+$0x6530]  }
0xb6: {  	v6 =	vadd.f32 v22, v41;
	[tilespmem:s11+$0x10470] =	vst v2;
	v2 =	vadd.f32 v4, v16;
	v4 =	vmul.f32 v13, v3;
	v13 =	vld [tilespmem:s11+$0x6540]  }
0xb7: {  	v7 =	vadd.f32 v15, v23;
	[tilespmem:s11+$0x104A0] =	vst v9;
	v9 =	vadd.f32 v11, v12;
	v11 =	vmul.f32 v8, v3;
	v12 =	vld [tilespmem:s11+$0x6550]  }
0xb8: {  	v15 =	vmul.f32 v38, v1;
	v16 =	vld [tilespmem:s11+$0x6560];
	[tilespmem:s11+$0x104B0] =	vst v2;
	v2 =	vadd.f32 v4, v18;
	v3 =	vmul.f32 v10, v3  }
0xb9: {  	v8 =	vadd.f32 v63, v30;
	[tilespmem:s11+$0x104C0] =	vst v9;
	v4 =	vadd.f32 v11, v21;
	v11 =	vmul.f32 v17, v62;
	v17 =	vld [tilespmem:s11+$0x6570]  }
0xba: {  	v9 =	vadd.f32 v15, v33;
	[tilespmem:s11+$0x104D0] =	vst v2;
	v15 =	vadd.f32 v3, v29;
	v14 =	vmul.f32 v14, v62;
	v2 =	vld [tilespmem:s11+$0x65A0]  }
0xbb: {  	v10 =	vmul.f32 v31, v1;
	[tilespmem:s11+$0x104E0] =	vst v4;
	v18 =	vadd.f32 v11, v25;
	v13 =	vmul.f32 v13, v62;
	v4 =	vld [tilespmem:s11+$0x65B0]  }
0xbc: {  	v1 =	vmul.f32 v36, v1;
	v11 =	vld [tilespmem:s11+$0x65C0];
	[tilespmem:s11+$0x104F0] =	vst v15;
	v14 =	vadd.f32 v14, v24;
	v15 =	vmul.f32 v12, v62  }
0xbd: {  	v3 =	vadd.f32 v10, v19;
	v16 =	vmul.f32 v16, v62;
	v12 =	vld [tilespmem:s11+$0x65D0];
	[tilespmem:s11+$0x10520] =	vst v18;
	v13 =	vadd.f32 v13, v56  }
0xbe: {  	s12 =	simm.s32 $0x0;
	s15 =	simm.s32 $0x800;
	s8 =	simm.s32 $0x218;
	v10 =	vadd.f32 v1, v20;
	v1 =	vld [tilespmem:s11+$0x65E0];
	[tilespmem:s11+$0x10530] =	vst v14;
	v14 =	vadd.f32 v15, v59;
	v15 =	vmul.f32 v17, v62  }
.LBB2_3:
0xbf: {  	s18 =	sshra.s32 s15, $0x2;
	v17 =	vld [tilespmem:s8+$0x4];
	s12 =	sadd.s32 $0x4, s12;
	[tilespmem:s11+$0x10540] =	vst v13;
	v5 =	vadd.f32 v16, v5;
	v2 =	vmul.f32 v2, v0  }
0xc0: {  	v13 =	vld [tilespmem:s18+$0x5F0];
	p0 =	slt.u32 s12, $0x3C;
	[tilespmem:s11+$0x10550] =	vst v14;
	v6 =	vadd.f32 v15, v6;
	v4 =	vmul.f32 v4, v0  }
0xc1: {  	v14 =	vld [tilespmem:s18+$0x25F0];
	[tilespmem:s11+$0x10560] =	vst v5;
	v2 =	vadd.f32 v2, v7;
	v5 =	vmul.f32 v11, v0  }
0xc2: {  	v11 =	vld [tilespmem:s8+$0xFFFFFFFC];
	[tilespmem:s11+$0x10570] =	vst v6;
	v4 =	vadd.f32 v4, v8;
	v6 =	vmul.f32 v12, v0  }
0xc3: {  	v12 =	vld [tilespmem:s18+$0x45F0];
	[tilespmem:s11+$0x105A0] =	vst v2;
	v2 =	vadd.f32 v5, v9;
	v0 =	vmul.f32 v1, v0  }
0xc4: {  	v1 =	vld [tilespmem:s8+$0x0];
	v8 =	vbroadcast v17, $0x0;
	v7 =	vbroadcast v17, $0x1;
	[tilespmem:s11+$0x105B0] =	vst v4;
	v4 =	vadd.f32 v6, v3  }
0xc5: {  	v3 =	vbroadcast v17, $0x2;
	v5 =	vld [tilespmem:s18+$0x65F0];
	[tilespmem:s11+$0x105C0] =	vst v2;
	v0 =	vadd.f32 v0, v10  }
0xc6: {  	v2 =	vld [tilespmem:s8+$0xFFFFFFF8];
	v6 =	vmul.f32 v13, v8;
	v9 =	vmul.f32 v14, v7;
	[tilespmem:s11+$0x105D0] =	vst v4  }
0xc7: {  	v4 =	vld [tilespmem:s18+$0x420];
	v22 =	vbroadcast v11, $0x0;
	v23 =	vbroadcast v11, $0x1;
	[tilespmem:s11+$0x105E0] =	vst v0;
	s11 =	smov.u32 s18  }
0xc8: {  	v0 =	vbroadcast v17, $0x3;
	v10 =	vld [tilespmem:s11+$0x2420];
	v9 =	vadd.f32 v9, v6;
	v12 =	vmul.f32 v12, v3  }
0xc9: {  	v13 =	vld [tilespmem:s11+$0x430];
	v19 =	vbroadcast v1, $0x0;
	v17 =	vbroadcast v1, $0x1  }
0xca: {  	v6 =	vbroadcast v11, $0x2;
	v14 =	vld [tilespmem:s11+$0x2430];
	v12 =	vadd.f32 v12, v9;
	v15 =	vmul.f32 v5, v0  }
0xcb: {  	v16 =	vbroadcast v2, $0x0;
	v18 =	vbroadcast v2, $0x1;
	v20 =	vld [tilespmem:s11+$0x440]  }
0xcc: {  	v5 =	vbroadcast v1, $0x2;
	v9 =	vbroadcast v2, $0x2;
	v21 =	vld [tilespmem:s11+$0x2440];
	v12 =	vadd.f32 v15, v12  }
0xcd: {  	v15 =	vmul.f32 v16, v4;
	v10 =	vmul.f32 v10, v18;
	v24 =	vld [tilespmem:s11+$0x450]  }
0xce: {  	v4 =	vbroadcast v2, $0x3;
	v13 =	vmul.f32 v13, v16;
	v25 =	vld [tilespmem:s11+$0x2450];
	[tilespmem:s11+$0x105F0] =	vst v12  }
0xcf: {  	v2 =	vbroadcast v11, $0x3;
	v10 =	vadd.f32 v10, v15;
	v12 =	vmul.f32 v14, v18;
	v14 =	vld [tilespmem:s11+$0x460]  }
0xd0: {  	v1 =	vbroadcast v1, $0x3;
	v15 =	vmul.f32 v20, v16;
	v20 =	vld [tilespmem:s11+$0x2460]  }
0xd1: {  	v11 =	vadd.f32 v12, v13;
	v12 =	vmul.f32 v21, v18;
	v21 =	vld [tilespmem:s11+$0x470]  }
0xd2: {  	v13 =	vmul.f32 v24, v16;
	v24 =	vld [tilespmem:s11+$0x2470]  }
0xd3: {  	v12 =	vadd.f32 v12, v15;
	v15 =	vmul.f32 v25, v18;
	v25 =	vld [tilespmem:s11+$0x4A0]  }
0xd4: {  	v14 =	vmul.f32 v14, v16;
	v26 =	vld [tilespmem:s11+$0x24A0]  }
0xd5: {  	v13 =	vadd.f32 v15, v13;
	v15 =	vmul.f32 v20, v18;
	v20 =	vld [tilespmem:s11+$0x4B0]  }
0xd6: {  	v16 =	vmul.f32 v21, v16;
	v21 =	vld [tilespmem:s11+$0x24B0]  }
0xd7: {  	v14 =	vadd.f32 v15, v14;
	v15 =	vmul.f32 v24, v18;
	v18 =	vld [tilespmem:s11+$0x4C0]  }
0xd8: {  	v24 =	vmul.f32 v22, v25;
	v25 =	vld [tilespmem:s11+$0x24C0]  }
0xd9: {  	v15 =	vadd.f32 v15, v16;
	v16 =	vmul.f32 v26, v23;
	v26 =	vld [tilespmem:s11+$0x4D0]  }
0xda: {  	v20 =	vmul.f32 v20, v22;
	v27 =	vld [tilespmem:s11+$0x24D0]  }
0xdb: {  	v16 =	vadd.f32 v16, v24;
	v21 =	vmul.f32 v21, v23;
	v24 =	vld [tilespmem:s11+$0x4E0]  }
0xdc: {  	v28 =	vmul.f32 v18, v22;
	v29 =	vld [tilespmem:s11+$0x24E0]  }
0xdd: {  	v18 =	vadd.f32 v21, v20;
	v20 =	vmul.f32 v25, v23;
	v25 =	vld [tilespmem:s11+$0x4F0]  }
0xde: {  	v21 =	vmul.f32 v26, v22;
	v26 =	vld [tilespmem:s11+$0x24F0]  }
0xdf: {  	v20 =	vadd.f32 v20, v28;
	v27 =	vmul.f32 v27, v23;
	v28 =	vld [tilespmem:s11+$0x520]  }
0xe0: {  	v24 =	vmul.f32 v24, v22;
	v30 =	vld [tilespmem:s11+$0x2520]  }
0xe1: {  	v21 =	vadd.f32 v27, v21;
	v27 =	vmul.f32 v29, v23;
	v29 =	vld [tilespmem:s11+$0x530]  }
0xe2: {  	v22 =	vmul.f32 v25, v22;
	v25 =	vld [tilespmem:s11+$0x2530]  }
0xe3: {  	v24 =	vadd.f32 v27, v24;
	v23 =	vmul.f32 v26, v23;
	v26 =	vld [tilespmem:s11+$0x540]  }
0xe4: {  	v27 =	vmul.f32 v19, v28;
	v28 =	vld [tilespmem:s11+$0x2540]  }
0xe5: {  	v22 =	vadd.f32 v23, v22;
	v23 =	vmul.f32 v30, v17;
	v30 =	vld [tilespmem:s11+$0x550]  }
0xe6: {  	v29 =	vmul.f32 v29, v19;
	v31 =	vld [tilespmem:s11+$0x2550]  }
0xe7: {  	v23 =	vadd.f32 v23, v27;
	v25 =	vmul.f32 v25, v17;
	v27 =	vld [tilespmem:s11+$0x560]  }
0xe8: {  	v26 =	vmul.f32 v26, v19;
	v32 =	vld [tilespmem:s11+$0x2560]  }
0xe9: {  	v25 =	vadd.f32 v25, v29;
	v28 =	vmul.f32 v28, v17;
	v29 =	vld [tilespmem:s11+$0x570]  }
0xea: {  	v30 =	vmul.f32 v30, v19;
	v33 =	vld [tilespmem:s11+$0x2570]  }
0xeb: {  	v26 =	vadd.f32 v28, v26;
	v28 =	vmul.f32 v31, v17;
	v31 =	vld [tilespmem:s11+$0x5A0]  }
0xec: {  	v27 =	vmul.f32 v27, v19;
	v34 =	vld [tilespmem:s11+$0x25A0]  }
0xed: {  	v28 =	vadd.f32 v28, v30;
	v30 =	vmul.f32 v32, v17;
	v32 =	vld [tilespmem:s11+$0x5B0]  }
0xee: {  	v19 =	vmul.f32 v29, v19;
	v29 =	vld [tilespmem:s11+$0x25B0]  }
0xef: {  	v27 =	vadd.f32 v30, v27;
	v17 =	vmul.f32 v33, v17;
	v30 =	vld [tilespmem:s11+$0x5C0]  }
0xf0: {  	v31 =	vmul.f32 v8, v31;
	v33 =	vld [tilespmem:s11+$0x25C0]  }
0xf1: {  	v17 =	vadd.f32 v17, v19;
	v19 =	vmul.f32 v34, v7;
	v34 =	vld [tilespmem:s11+$0x5D0]  }
0xf2: {  	v32 =	vmul.f32 v32, v8;
	v35 =	vld [tilespmem:s11+$0x25D0]  }
0xf3: {  	v19 =	vadd.f32 v19, v31;
	v29 =	vmul.f32 v29, v7;
	v31 =	vld [tilespmem:s11+$0x5E0]  }
0xf4: {  	v30 =	vmul.f32 v30, v8;
	v36 =	vld [tilespmem:s11+$0x25E0]  }
0xf5: {  	v37 =	vld [tilespmem:s11+$0x4420];
	v29 =	vadd.f32 v29, v32;
	v32 =	vmul.f32 v33, v7  }
0xf6: {  	v33 =	vld [tilespmem:s11+$0x4430];
	v34 =	vmul.f32 v34, v8  }
0xf7: {  	v38 =	vld [tilespmem:s11+$0x4440];
	v30 =	vadd.f32 v32, v30;
	v32 =	vmul.f32 v35, v7  }
0xf8: {  	v35 =	vld [tilespmem:s11+$0x4450];
	v8 =	vmul.f32 v31, v8  }
0xf9: {  	v31 =	vld [tilespmem:s11+$0x4460];
	v32 =	vadd.f32 v32, v34;
	v7 =	vmul.f32 v36, v7  }
0xfa: {  	v34 =	vmul.f32 v37, v9;
	v36 =	vld [tilespmem:s11+$0x4470]  }
0xfb: {  	v33 =	vmul.f32 v33, v9;
	v37 =	vld [tilespmem:s11+$0x44A0];
	v39 =	vadd.f32 v7, v8  }
0xfc: {  	v34 =	vadd.f32 v34, v10;
	v7 =	vmul.f32 v38, v9;
	v8 =	vld [tilespmem:s11+$0x44B0]  }
0xfd: {  	v11 =	vadd.f32 v33, v11;
	v10 =	vmul.f32 v35, v9;
	v33 =	vld [tilespmem:s11+$0x44C0]  }
0xfe: {  	v12 =	vadd.f32 v7, v12;
	v7 =	vmul.f32 v31, v9;
	v31 =	vld [tilespmem:s11+$0x44D0]  }
0xff: {  	v13 =	vadd.f32 v10, v13;
	v9 =	vmul.f32 v36, v9;
	v10 =	vld [tilespmem:s11+$0x44E0]  }
0x100: {  	v14 =	vadd.f32 v7, v14;
	v7 =	vmul.f32 v37, v6;
	v35 =	vld [tilespmem:s11+$0x44F0]  }
0x101: {  	v15 =	vadd.f32 v9, v15;
	v8 =	vmul.f32 v8, v6;
	v9 =	vld [tilespmem:s11+$0x4520]  }
0x102: {  	v16 =	vadd.f32 v7, v16;
	v7 =	vmul.f32 v33, v6;
	v33 =	vld [tilespmem:s11+$0x4530]  }
0x103: {  	v18 =	vadd.f32 v8, v18;
	v8 =	vmul.f32 v31, v6;
	v31 =	vld [tilespmem:s11+$0x4540]  }
0x104: {  	v20 =	vadd.f32 v7, v20;
	v7 =	vmul.f32 v10, v6;
	v10 =	vld [tilespmem:s11+$0x4550]  }
0x105: {  	v21 =	vadd.f32 v8, v21;
	v6 =	vmul.f32 v35, v6;
	v8 =	vld [tilespmem:s11+$0x4560]  }
0x106: {  	v24 =	vadd.f32 v7, v24;
	v7 =	vmul.f32 v9, v5;
	v9 =	vld [tilespmem:s11+$0x4570]  }
0x107: {  	v22 =	vadd.f32 v6, v22;
	v6 =	vmul.f32 v33, v5;
	v33 =	vld [tilespmem:s11+$0x45A0]  }
0x108: {  	v23 =	vadd.f32 v7, v23;
	v7 =	vmul.f32 v31, v5;
	v31 =	vld [tilespmem:s11+$0x45B0]  }
0x109: {  	v25 =	vadd.f32 v6, v25;
	v6 =	vmul.f32 v10, v5;
	v10 =	vld [tilespmem:s11+$0x45C0]  }
0x10a: {  	v26 =	vadd.f32 v7, v26;
	v7 =	vmul.f32 v8, v5;
	v35 =	vld [tilespmem:s11+$0x45D0]  }
0x10b: {  	v28 =	vadd.f32 v6, v28;
	v6 =	vmul.f32 v9, v5;
	v36 =	vld [tilespmem:s11+$0x45E0]  }
0x10c: {  	v37 =	vld [tilespmem:s11+$0x6420];
	v5 =	vadd.f32 v7, v27;
	v7 =	vmul.f32 v33, v3  }
0x10d: {  	v27 =	vld [tilespmem:s11+$0x6430];
	v6 =	vadd.f32 v6, v17;
	v8 =	vmul.f32 v31, v3  }
0x10e: {  	v17 =	vld [tilespmem:s11+$0x6440];
	v7 =	vadd.f32 v7, v19;
	v9 =	vmul.f32 v10, v3  }
0x10f: {  	v19 =	vld [tilespmem:s11+$0x6450];
	v8 =	vadd.f32 v8, v29;
	v10 =	vmul.f32 v35, v3  }
0x110: {  	v29 =	vld [tilespmem:s11+$0x6460];
	v9 =	vadd.f32 v9, v30;
	v30 =	vmul.f32 v36, v3  }
0x111: {  	v31 =	vmul.f32 v37, v4;
	v33 =	vld [tilespmem:s11+$0x6470];
	v3 =	vadd.f32 v10, v32  }
0x112: {  	v27 =	vmul.f32 v27, v4;
	v32 =	vld [tilespmem:s11+$0x64A0];
	v10 =	vadd.f32 v30, v39  }
0x113: {  	v30 =	vadd.f32 v31, v34;
	v17 =	vmul.f32 v17, v4;
	v31 =	vld [tilespmem:s11+$0x64B0]  }
0x114: {  	v11 =	vadd.f32 v27, v11;
	v19 =	vmul.f32 v19, v4;
	v27 =	vld [tilespmem:s11+$0x64C0]  }
0x115: {  	[tilespmem:s11+$0x10420] =	vst v30;
	v12 =	vadd.f32 v17, v12;
	v17 =	vmul.f32 v29, v4;
	v29 =	vld [tilespmem:s11+$0x64D0]  }
0x116: {  	[tilespmem:s11+$0x10430] =	vst v11;
	v11 =	vadd.f32 v19, v13;
	v4 =	vmul.f32 v33, v4;
	v13 =	vld [tilespmem:s11+$0x64E0]  }
0x117: {  	[tilespmem:s11+$0x10440] =	vst v12;
	v12 =	vadd.f32 v17, v14;
	v14 =	vmul.f32 v32, v2;
	v17 =	vld [tilespmem:s11+$0x64F0]  }
0x118: {  	[tilespmem:s11+$0x10450] =	vst v11;
	v4 =	vadd.f32 v4, v15;
	v11 =	vmul.f32 v31, v2;
	v15 =	vld [tilespmem:s11+$0x6520]  }
0x119: {  	[tilespmem:s11+$0x10460] =	vst v12;
	v12 =	vadd.f32 v14, v16;
	v14 =	vmul.f32 v27, v2;
	v16 =	vld [tilespmem:s11+$0x6530]  }
0x11a: {  	[tilespmem:s11+$0x10470] =	vst v4;
	v4 =	vadd.f32 v11, v18;
	v11 =	vmul.f32 v29, v2;
	v18 =	vld [tilespmem:s11+$0x6540]  }
0x11b: {  	[tilespmem:s11+$0x104A0] =	vst v12;
	v12 =	vadd.f32 v14, v20;
	v13 =	vmul.f32 v13, v2;
	v14 =	vld [tilespmem:s11+$0x6550]  }
0x11c: {  	[tilespmem:s11+$0x104B0] =	vst v4;
	v4 =	vadd.f32 v11, v21;
	v2 =	vmul.f32 v17, v2;
	v17 =	vld [tilespmem:s11+$0x6560]  }
0x11d: {  	[tilespmem:s11+$0x104C0] =	vst v12;
	v11 =	vadd.f32 v13, v24;
	v12 =	vmul.f32 v15, v1;
	v15 =	vld [tilespmem:s11+$0x6570]  }
.Ltmp0:
0x11e: {  	[tilespmem:s11+$0x104D0] =	vst v4;
	v13 =	vadd.f32 v2, v22;
	v16 =	vmul.f32 v16, v1;
	v2 =	vld [tilespmem:s11+$0x65A0];
	(pc) =	sbr.rel @p0 .LBB2_3-.Ltmp0, $4  }
0x11f: {  	[tilespmem:s11+$0x104E0] =	vst v11;
	v12 =	vadd.f32 v12, v23;
	v18 =	vmul.f32 v18, v1;
	v4 =	vld [tilespmem:s11+$0x65B0]  }
0x120: {  	[tilespmem:s11+$0x104F0] =	vst v13;
	v19 =	vadd.f32 v16, v25;
	v14 =	vmul.f32 v14, v1;
	v11 =	vld [tilespmem:s11+$0x65C0]  }
0x121: {  	[tilespmem:s11+$0x10520] =	vst v12;
	v13 =	vadd.f32 v18, v26;
	v16 =	vmul.f32 v17, v1;
	v12 =	vld [tilespmem:s11+$0x65D0]  }
0x122: {  	s15 =	sadd.s32 $0x800, s15;
	s8 =	sadd.s32 $0x10, s8;
	[tilespmem:s11+$0x10530] =	vst v19;
	v14 =	vadd.f32 v14, v28;
	v15 =	vmul.f32 v15, v1;
	v1 =	vld [tilespmem:s11+$0x65E0]  }
0x123: {  	[tilespmem:s11+$0x10540] =	vst v13;
	v5 =	vadd.f32 v16, v5;
	v2 =	vmul.f32 v2, v0  }
0x124: {  	[tilespmem:s11+$0x10550] =	vst v14;
	v6 =	vadd.f32 v15, v6;
	v4 =	vmul.f32 v4, v0  }
0x125: {  	[tilespmem:s11+$0x10560] =	vst v5;
	v2 =	vadd.f32 v2, v7;
	v5 =	vmul.f32 v11, v0  }
0x126: {  	[tilespmem:s11+$0x10570] =	vst v6;
	v4 =	vadd.f32 v4, v8;
	v6 =	vmul.f32 v12, v0  }
0x127: {  	[tilespmem:s11+$0x105A0] =	vst v2;
	v2 =	vadd.f32 v5, v9;
	v0 =	vmul.f32 v1, v0  }
0x128: {  	s8 =	sshll.u32 s19, $0xE;
	[tilespmem:s11+$0x105B0] =	vst v4;
	v1 =	vadd.f32 v6, v3  }
0x129: {  	s8 =	sadd.s32 s13, s8;
	[tilespmem:s11+$0x105C0] =	vst v2;
	v0 =	vadd.f32 v0, v10  }
0x12a: {  	s8 =	sshrl.u32 s8, $0x3;
	[tilespmem:s11+$0x105D0] =	vst v1  }
0x12b: {  	p0 =	seq.s32 s19, $0x30;
	s8 =	sadd.s32 s5, s8;
	[tilespmem:s11+$0x105E0] =	vst v0  }
0x12c: {  	[hbm4b:s8+s6] =	stream.linear.scatter [tilespmem:s22], [sflag:$0x3], $0x2000, $0x38;
	[tilespmem:$0x14420] =	vst v63  }
0x12d: {  	s8 =	sadd.s32 @!p0 s10, s14;
	_ =	swait.ge [sflag:s16], $0x2000  }
0x12e: {  	s12 =	simm.s32 @!p0 $0x3;
	s10 =	sshrl.u32 @!p0 s8, $0x3;
	[sflag:s16] =	ssyncset.done $0x0  }
0x12f: {  	s11 =	simm.s32 @!p0 $0x0;
	s10 =	sadd.s32 @!p0 s2, s10;
	[sflag:s16] =	ssyncadd.s32 $0xFFFFE000  }
0x130: {  	[tilespmem:s11], [sflag:$0x3] =	stream.linear.gather @!p0 [hbm4b:s10+s11], $0x40, $0x38;
	[tilespmem:$0x14420] =	vst v63  }
0x131: {  	_ =	swait.ge @!p0 [sflag:s12], $0x40  }
0x132: {  	[sflag:s12] =	ssyncset.done @!p0 $0x0  }
0x133: {  	s18 =	simm.s32 @!p0 $0x40;
	s15 =	sadd.s32 @!p0 $0x6200, s10;
	[sflag:s12] =	ssyncadd.s32 @!p0 $0xFFFFFFC0  }
0x134: {  	[tilespmem:s18], [sflag:$0x3] =	stream.linear.gather @!p0 [hbm4b:s15+s11], $0x40, $0x38;
	[tilespmem:$0x14420] =	vst v63  }
0x135: {  	_ =	swait.ge @!p0 [sflag:s12], $0x40  }
0x136: {  	[sflag:s12] =	ssyncset.done @!p0 $0x0  }
0x137: {  	s30 =	simm.s32 @!p0 $0x80;
	s15 =	sadd.s32 @!p0 $0xC400, s10;
	[sflag:s12] =	ssyncadd.s32 @!p0 $0xFFFFFFC0  }
0x138: {  	[tilespmem:s30], [sflag:$0x3] =	stream.linear.gather @!p0 [hbm4b:s15+s11], $0x40, $0x38;
	[tilespmem:$0x14420] =	vst v63  }
0x139: {  	_ =	swait.ge @!p0 [sflag:s12], $0x40  }
0x13a: {  	[sflag:s12] =	ssyncset.done @!p0 $0x0  }
0x13b: {  	s10 =	sadd.s32 @!p0 $0x12600, s10;
	s15 =	simm.s32 @!p0 $0xC0;
	[sflag:s12] =	ssyncadd.s32 @!p0 $0xFFFFFFC0  }
0x13c: {  	[tilespmem:s15], [sflag:$0x3] =	stream.linear.gather @!p0 [hbm4b:s10+s11], $0x40, $0x38;
	[tilespmem:$0x14420] =	vst v63  }
0x13d: {  	s8 =	sshrl.u32 @!p0 s8, $0x1;
	_ =	swait.ge @!p0 [sflag:s12], $0x40  }
0x13e: {  	s8 =	sand.u32 @!p0 $0x1FFFFFC0, s8;
	[sflag:s12] =	ssyncset.done @!p0 $0x0  }
0x13f: {  	s8 =	sadd.s32 @!p0 s4, s8;
	s10 =	simm.s32 @!p0 $0x200;
	[sflag:s12] =	ssyncadd.s32 @!p0 $0xFFFFFFC0  }
0x140: {  	[tilespmem:s10], [sflag:$0x3] =	stream.linear.gather @!p0 [hbm4b:s8+s11], $0x100, $0x38;
	[tilespmem:$0x14420] =	vst v63  }
0x141: {  	_ =	swait.ge @!p0 [sflag:s12], $0x100  }
0x142: {  	[sflag:s12] =	ssyncset.done @!p0 $0x0  }
0x143: {  	s8 =	simm.s32 @!p0 $0x420;
	[sflag:s12] =	ssyncadd.s32 @!p0 $0xFFFFFF00  }
0x144: {  	[tilespmem:s8], [sflag:$0x1] =	stream.indirect.gather @!p0 [hbm4b:s1+s18], $0x80, s11, s18, $0xb8;
	[tilespmem:$0x14420] =	vst v63  }
0x145: {  	s8 =	simm.s32 @!p0 $0x2420  }
0x146: {  	[tilespmem:s8], [sflag:$0x1] =	stream.indirect.gather @!p0 [hbm4b:s1+s18], $0x80, s18, s18, $0xb8;
	[tilespmem:$0x14420] =	vst v63  }
0x147: {  	s8 =	simm.s32 @!p0 $0x4420  }
0x148: {  	[tilespmem:s8], [sflag:$0x1] =	stream.indirect.gather @!p0 [hbm4b:s1+s18], $0x80, s30, s18, $0xb8;
	[tilespmem:$0x14420] =	vst v63  }
0x149: {  	s8 =	simm.s32 @!p0 $0x6420  }
0x14a: {  	[tilespmem:s8], [sflag:$0x1] =	stream.indirect.gather @!p0 [hbm4b:s1+s18], $0x80, s15, s18, $0xb8;
	[tilespmem:$0x14420] =	vst v63  }
0x14b: {  	_ =	swait.ge [sflag:s23], $0x2000  }
0x14c: {  	[sflag:s23] =	ssyncset.done $0x0  }
0x14d: {  	[sflag:s23] =	ssyncadd.s32 $0xFFFFE000  }
0x14e: {  	_ =	swait.ge [sflag:s23], $0x2000  }
0x14f: {  	[sflag:s23] =	ssyncset.done $0x0  }
0x150: {  	[sflag:s23] =	ssyncadd.s32 $0xFFFFE000  }
0x151: {  	_ =	swait.ge [sflag:s23], $0x2000  }
0x152: {  	[sflag:s23] =	ssyncset.done $0x0  }
0x153: {  	[sflag:s23] =	ssyncadd.s32 $0xFFFFE000  }
0x154: {  	_ =	swait.ge [sflag:s23], $0x2000  }
0x155: {  	[sflag:s23] =	ssyncset.done $0x0  }
0x156: {  	s30 =	simm.s32 $0x318;
	[sflag:s23] =	ssyncadd.s32 $0xFFFFE000  }
0x157: {  	s10 =	simm.s32 $0x0;
	v0 =	vld [tilespmem:s30+$0x4]  }
0x158: {  	v5 =	vld [tilespmem:s10+$0x85F0]  }
0x159: {  	v6 =	vld [tilespmem:s10+$0xA5F0]  }
0x15a: {  	v3 =	vld [tilespmem:s30+$0xFFFFFFFC]  }
0x15b: {  	v7 =	vld [tilespmem:s10+$0xC5F0]  }
0x15c: {  	v2 =	vld [tilespmem:s30+$0x0]  }
0x15d: {  	v8 =	vld [tilespmem:s10+$0xE5F0]  }
0x15e: {  	v4 =	vld [tilespmem:s30+$0xFFFFFFF8]  }
0x15f: {  	v9 =	vld [tilespmem:s10+$0x8420]  }
0x160: {  	v10 =	vld [tilespmem:s10+$0xA420]  }
0x161: {  	v11 =	vld [tilespmem:s10+$0x8430]  }
0x162: {  	v12 =	vld [tilespmem:s10+$0xA430]  }
0x163: {  	v13 =	vld [tilespmem:s10+$0x8440]  }
0x164: {  	v14 =	vld [tilespmem:s10+$0xA440]  }
0x165: {  	v15 =	vld [tilespmem:s10+$0x8450]  }
0x166: {  	v16 =	vld [tilespmem:s10+$0xA450]  }
0x167: {  	v17 =	vld [tilespmem:s10+$0x8460]  }
0x168: {  	v18 =	vld [tilespmem:s10+$0xA460]  }
0x169: {  	v19 =	vld [tilespmem:s10+$0x8470]  }
0x16a: {  	v20 =	vld [tilespmem:s10+$0xA470]  }
0x16b: {  	v21 =	vld [tilespmem:s10+$0x84A0]  }
0x16c: {  	v22 =	vld [tilespmem:s10+$0xA4A0]  }
0x16d: {  	v23 =	vld [tilespmem:s10+$0x84B0]  }
0x16e: {  	v24 =	vld [tilespmem:s10+$0xA4B0]  }
0x16f: {  	v25 =	vld [tilespmem:s10+$0x84C0]  }
0x170: {  	v26 =	vld [tilespmem:s10+$0xA4C0]  }
0x171: {  	v27 =	vld [tilespmem:s10+$0x84D0]  }
0x172: {  	v28 =	vld [tilespmem:s10+$0xA4D0]  }
0x173: {  	v29 =	vld [tilespmem:s10+$0x84E0]  }
0x174: {  	v30 =	vld [tilespmem:s10+$0xA4E0]  }
0x175: {  	v31 =	vld [tilespmem:s10+$0x84F0]  }
0x176: {  	v32 =	vld [tilespmem:s10+$0xA4F0]  }
0x177: {  	v33 =	vld [tilespmem:s10+$0x8520]  }
0x178: {  	v36 =	vld [tilespmem:s10+$0xA520]  }
0x179: {  	v37 =	vld [tilespmem:s10+$0x8530]  }
0x17a: {  	v38 =	vld [tilespmem:s10+$0xA530]  }
0x17b: {  	v39 =	vld [tilespmem:s10+$0x8540]  }
0x17c: {  	v40 =	vld [tilespmem:s10+$0x8550];
	v34 =	vbroadcast v0, $0x0  }
0x17d: {  	v41 =	vld [tilespmem:s10+$0x8560];
	v35 =	vbroadcast v0, $0x1;
	v1 =	vbroadcast v0, $0x2  }
0x17e: {  	v42 =	vld [tilespmem:s10+$0x8570];
	v0 =	vbroadcast v0, $0x3;
	v43 =	vbroadcast v3, $0x0  }
0x17f: {  	v46 =	vld [tilespmem:s10+$0x85A0];
	v44 =	vbroadcast v3, $0x1;
	v45 =	vbroadcast v2, $0x0  }
0x180: {  	v49 =	vld [tilespmem:s10+$0xA5A0];
	v47 =	vbroadcast v4, $0x0;
	v48 =	vbroadcast v4, $0x1  }
0x181: {  	v52 =	vld [tilespmem:s10+$0x85B0];
	v50 =	vbroadcast v2, $0x1;
	v51 =	vbroadcast v4, $0x2  }
0x182: {  	v53 =	vld [tilespmem:s10+$0xA5B0];
	v4 =	vbroadcast v4, $0x3;
	v5 =	vmul.f32 v5, v34  }
0x183: {  	v54 =	vld [tilespmem:s10+$0x85C0];
	v6 =	vmul.f32 v6, v35;
	v9 =	vmul.f32 v47, v9  }
0x184: {  	v55 =	vld [tilespmem:s10+$0xA5C0];
	v10 =	vmul.f32 v10, v48;
	v11 =	vmul.f32 v11, v47  }
0x185: {  	v56 =	vld [tilespmem:s10+$0x85D0];
	v12 =	vmul.f32 v12, v48;
	v13 =	vmul.f32 v13, v47  }
0x186: {  	v14 =	vmul.f32 v14, v48;
	v61 =	vmul.f32 v22, v44;
	v22 =	vld [tilespmem:s10+$0xA5E0]  }
0x187: {  	v15 =	vmul.f32 v15, v47;
	v62 =	vmul.f32 v24, v44;
	v24 =	vld [tilespmem:s10+$0xC420]  }
0x188: {  	v16 =	vmul.f32 v16, v48;
	v63 =	vmul.f32 v26, v44;
	v26 =	vld [tilespmem:s10+$0xC430]  }
0x189: {  	v57 =	vmul.f32 v31, v43;
	v31 =	vld [tilespmem:s10+$0xC450];
	v58 =	vmul.f32 v30, v44  }
0x18a: {  	v59 =	vmul.f32 v32, v44;
	v32 =	vld [tilespmem:s10+$0xC460];
	v60 =	vmul.f32 v45, v33;
	v5 =	vadd.f32 v6, v5  }
0x18b: {  	v6 =	vmul.f32 v7, v1;
	v7 =	vld [tilespmem:s10+$0xA540];
	v9 =	vadd.f32 v10, v9;
	v10 =	vmul.f32 v17, v47  }
0x18c: {  	v17 =	vmul.f32 v19, v47;
	v19 =	vld [tilespmem:s10+$0xA5D0];
	v11 =	vadd.f32 v12, v11;
	v12 =	vmul.f32 v18, v48  }
0x18d: {  	v18 =	vmul.f32 v20, v48;
	v20 =	vld [tilespmem:s10+$0x85E0];
	v13 =	vadd.f32 v14, v13;
	v14 =	vmul.f32 v43, v21  }
0x18e: {  	v15 =	vadd.f32 v16, v15;
	v16 =	vmul.f32 v23, v43;
	v47 =	vmul.f32 v28, v44;
	v28 =	vld [tilespmem:s10+$0xC440]  }
0x18f: {  	v48 =	vmul.f32 v29, v43;
	v29 =	vadd.f32 v59, v57;
	v57 =	vmul.f32 v41, v45;
	v44 =	vld [tilespmem:s10+$0xC4F0]  }
0x190: {  	v59 =	vmul.f32 v34, v46;
	v46 =	vld [tilespmem:s10+$0xC520];
	v5 =	vadd.f32 v6, v5;
	v6 =	vmul.f32 v8, v0  }
0x191: {  	v8 =	vld [tilespmem:s10+$0xA550];
	v10 =	vadd.f32 v12, v10;
	v12 =	vmul.f32 v25, v43;
	v17 =	vadd.f32 v18, v17  }
0x192: {  	v18 =	vmul.f32 v27, v43;
	v14 =	vadd.f32 v61, v14;
	v61 =	vmul.f32 v36, v50;
	v36 =	vld [tilespmem:s10+$0xC470]  }
0x193: {  	v21 =	vadd.f32 v58, v48;
	v48 =	vmul.f32 v40, v45;
	v40 =	vld [tilespmem:s10+$0xC4C0];
	v5 =	vadd.f32 v6, v5  }
0x194: {  	v16 =	vadd.f32 v62, v16;
	v62 =	vmul.f32 v37, v45;
	v58 =	vmul.f32 v42, v45;
	v42 =	vld [tilespmem:s10+$0xC4D0]  }
0x195: {  	v22 =	vmul.f32 v22, v35;
	v24 =	vmul.f32 v24, v51;
	v12 =	vadd.f32 v63, v12;
	[tilespmem:s10+$0x125F0] =	vst v5;
	v5 =	vld [tilespmem:s10+$0xA570]  }
0x196: {  	v37 =	vld [tilespmem:s10+$0xC4E0];
	v18 =	vadd.f32 v47, v18;
	v63 =	vmul.f32 v38, v50;
	v47 =	vmul.f32 v39, v45  }
0x197: {  	v43 =	vld [tilespmem:s10+$0xC560];
	v25 =	vadd.f32 v61, v60;
	v60 =	vmul.f32 v49, v35;
	v61 =	vmul.f32 v52, v34  }
0x198: {  	v6 =	vld [tilespmem:s10+$0xA560];
	v52 =	vmul.f32 v55, v35;
	v7 =	vmul.f32 v7, v50  }
0x199: {  	v38 =	vld [tilespmem:s10+$0xC4A0];
	v20 =	vmul.f32 v20, v34;
	v19 =	vmul.f32 v19, v35  }
0x19a: {  	v39 =	vld [tilespmem:s10+$0xC4B0];
	v9 =	vadd.f32 v24, v9;
	v27 =	vadd.f32 v63, v62;
	v5 =	vmul.f32 v5, v50  }
0x19b: {  	v55 =	vld [tilespmem:s10+$0xC550];
	v62 =	vmul.f32 v53, v35;
	v63 =	vmul.f32 v54, v34;
	v23 =	vadd.f32 v60, v59  }
0x19c: {  	v53 =	vld [tilespmem:s10+$0xC530];
	v8 =	vmul.f32 v8, v50;
	v41 =	vadd.f32 v5, v58;
	v5 =	vmul.f32 v56, v34  }
0x19d: {  	v54 =	vld [tilespmem:s10+$0xC540];
	v7 =	vadd.f32 v7, v47;
	v20 =	vadd.f32 v22, v20;
	v59 =	vmul.f32 v36, v51  }
0x19e: {  	v22 =	vld [tilespmem:s10+$0xC570];
	v30 =	vadd.f32 v62, v61;
	v19 =	vadd.f32 v19, v5;
	v5 =	vmul.f32 v26, v51  }
0x19f: {  	v36 =	vld [tilespmem:s10+$0xC5E0];
	v33 =	vadd.f32 v52, v63;
	v62 =	vbroadcast v2, $0x2;
	v6 =	vmul.f32 v6, v50  }
0x1a0: {  	v63 =	vld [tilespmem:s10+$0xE420];
	v56 =	vbroadcast v3, $0x2;
	v11 =	vadd.f32 v5, v11;
	v5 =	vmul.f32 v31, v51  }
0x1a1: {  	v52 =	vld [tilespmem:s10+$0xE440];
	v8 =	vadd.f32 v8, v48;
	v6 =	vadd.f32 v6, v57;
	v57 =	vmul.f32 v28, v51  }
0x1a2: {  	v28 =	vld [tilespmem:s10+$0xC5A0];
	v53 =	vmul.f32 v53, v62;
	v15 =	vadd.f32 v5, v15;
	v5 =	vmul.f32 v39, v56  }
0x1a3: {  	v17 =	vadd.f32 v59, v17;
	v50 =	vld [tilespmem:s10+$0xE430];
	v22 =	vmul.f32 v22, v62;
	v58 =	vmul.f32 v32, v51  }
0x1a4: {  	v32 =	vld [tilespmem:s10+$0xC5B0];
	v13 =	vadd.f32 v57, v13;
	v16 =	vadd.f32 v5, v16;
	v5 =	vmul.f32 v42, v56  }
0x1a5: {  	v34 =	vmul.f32 v54, v62;
	v54 =	vld [tilespmem:s10+$0xE450];
	v24 =	vadd.f32 v53, v27;
	v60 =	vmul.f32 v38, v56  }
0x1a6: {  	v57 =	vld [tilespmem:s10+$0xE470];
	v61 =	vmul.f32 v40, v56;
	v18 =	vadd.f32 v5, v18;
	v5 =	vmul.f32 v44, v56  }
0x1a7: {  	v38 =	vld [tilespmem:s10+$0xC5C0];
	v49 =	vmul.f32 v37, v56;
	v56 =	vadd.f32 v34, v7;
	v7 =	vmul.f32 v63, v4  }
0x1a8: {  	v10 =	vadd.f32 v58, v10;
	v29 =	vadd.f32 v5, v29;
	v5 =	vmul.f32 v55, v62;
	v55 =	vld [tilespmem:s10+$0xE460]  }
0x1a9: {  	v58 =	vmul.f32 v43, v62;
	v31 =	vld [tilespmem:s10+$0xC5D0];
	v14 =	vadd.f32 v60, v14;
	v7 =	vadd.f32 v7, v9  }
0x1aa: {  	v60 =	vld [tilespmem:s10+$0xE4A0];
	v9 =	vmul.f32 v52, v4;
	v59 =	vadd.f32 v5, v8;
	v8 =	vmul.f32 v50, v4  }
0x1ab: {  	v3 =	vbroadcast v3, $0x3;
	v12 =	vadd.f32 v61, v12;
	v61 =	vld [tilespmem:s10+$0xE4B0];
	v5 =	vadd.f32 v58, v6  }
0x1ac: {  	[tilespmem:s10+$0x12420] =	vst v7;
	v7 =	vadd.f32 v9, v13;
	v6 =	vadd.f32 v8, v11;
	v8 =	vmul.f32 v54, v4;
	v11 =	vld [tilespmem:s10+$0xE4C0]  }
0x1ad: {  	v51 =	vmul.f32 v46, v62;
	v21 =	vadd.f32 v49, v21;
	v13 =	vld [tilespmem:s10+$0xE4D0];
	v9 =	vmul.f32 v55, v4  }
0x1ae: {  	v62 =	vbroadcast v2, $0x3;
	[tilespmem:s10+$0x12440] =	vst v7;
	v4 =	vmul.f32 v57, v4;
	v2 =	vadd.f32 v8, v15;
	v8 =	vld [tilespmem:s10+$0xE4E0]  }
0x1af: {  	v25 =	vadd.f32 v51, v25;
	[tilespmem:s10+$0x12430] =	vst v6;
	v7 =	vadd.f32 v9, v10;
	v9 =	vmul.f32 v60, v3;
	v10 =	vld [tilespmem:s10+$0xE4F0]  }
0x1b0: {  	v63 =	vmul.f32 v32, v1;
	[tilespmem:s10+$0x12450] =	vst v2;
	v2 =	vadd.f32 v4, v17;
	v4 =	vmul.f32 v61, v3;
	v17 =	vld [tilespmem:s10+$0xE520]  }
0x1b1: {  	v15 =	vmul.f32 v28, v1;
	[tilespmem:s10+$0x12460] =	vst v7;
	v9 =	vadd.f32 v9, v14;
	v11 =	vmul.f32 v11, v3;
	v14 =	vld [tilespmem:s10+$0xE530]  }
0x1b2: {  	v6 =	vadd.f32 v22, v41;
	[tilespmem:s10+$0x12470] =	vst v2;
	v2 =	vadd.f32 v4, v16;
	v4 =	vmul.f32 v13, v3;
	v13 =	vld [tilespmem:s10+$0xE540]  }
0x1b3: {  	v7 =	vadd.f32 v15, v23;
	[tilespmem:s10+$0x124A0] =	vst v9;
	v9 =	vadd.f32 v11, v12;
	v11 =	vmul.f32 v8, v3;
	v12 =	vld [tilespmem:s10+$0xE550]  }
0x1b4: {  	v15 =	vmul.f32 v38, v1;
	v16 =	vld [tilespmem:s10+$0xE560];
	[tilespmem:s10+$0x124B0] =	vst v2;
	v2 =	vadd.f32 v4, v18;
	v3 =	vmul.f32 v10, v3  }
0x1b5: {  	v8 =	vadd.f32 v63, v30;
	[tilespmem:s10+$0x124C0] =	vst v9;
	v4 =	vadd.f32 v11, v21;
	v11 =	vmul.f32 v17, v62;
	v17 =	vld [tilespmem:s10+$0xE570]  }
0x1b6: {  	v9 =	vadd.f32 v15, v33;
	[tilespmem:s10+$0x124D0] =	vst v2;
	v15 =	vadd.f32 v3, v29;
	v14 =	vmul.f32 v14, v62;
	v2 =	vld [tilespmem:s10+$0xE5A0]  }
0x1b7: {  	v10 =	vmul.f32 v31, v1;
	[tilespmem:s10+$0x124E0] =	vst v4;
	v18 =	vadd.f32 v11, v25;
	v13 =	vmul.f32 v13, v62;
	v4 =	vld [tilespmem:s10+$0xE5B0]  }
0x1b8: {  	v1 =	vmul.f32 v36, v1;
	v11 =	vld [tilespmem:s10+$0xE5C0];
	[tilespmem:s10+$0x124F0] =	vst v15;
	v14 =	vadd.f32 v14, v24;
	v15 =	vmul.f32 v12, v62  }
0x1b9: {  	v3 =	vadd.f32 v10, v19;
	v16 =	vmul.f32 v16, v62;
	v12 =	vld [tilespmem:s10+$0xE5D0];
	[tilespmem:s10+$0x12520] =	vst v18;
	v13 =	vadd.f32 v13, v56  }
0x1ba: {  	s12 =	simm.s32 $0x800;
	s11 =	simm.s32 $0x0;
	s8 =	simm.s32 $0x328;
	v10 =	vadd.f32 v1, v20;
	v1 =	vld [tilespmem:s10+$0xE5E0];
	[tilespmem:s10+$0x12530] =	vst v14;
	v14 =	vadd.f32 v15, v59;
	v15 =	vmul.f32 v17, v62  }
.LBB2_5:
0x1bb: {  	s15 =	sshra.s32 s12, $0x2;
	v17 =	vld [tilespmem:s8+$0x4];
	s11 =	sadd.s32 $0x4, s11;
	[tilespmem:s10+$0x12540] =	vst v13;
	v5 =	vadd.f32 v16, v5;
	v2 =	vmul.f32 v2, v0  }
0x1bc: {  	v13 =	vld [tilespmem:s15+$0x85F0];
	p0 =	slt.u32 s11, $0x3C;
	[tilespmem:s10+$0x12550] =	vst v14;
	v6 =	vadd.f32 v15, v6;
	v4 =	vmul.f32 v4, v0  }
0x1bd: {  	v14 =	vld [tilespmem:s15+$0xA5F0];
	[tilespmem:s10+$0x12560] =	vst v5;
	v2 =	vadd.f32 v2, v7;
	v5 =	vmul.f32 v11, v0  }
0x1be: {  	v11 =	vld [tilespmem:s8+$0xFFFFFFFC];
	[tilespmem:s10+$0x12570] =	vst v6;
	v4 =	vadd.f32 v4, v8;
	v6 =	vmul.f32 v12, v0  }
0x1bf: {  	v12 =	vld [tilespmem:s15+$0xC5F0];
	[tilespmem:s10+$0x125A0] =	vst v2;
	v2 =	vadd.f32 v5, v9;
	v0 =	vmul.f32 v1, v0  }
0x1c0: {  	v1 =	vld [tilespmem:s8+$0x0];
	v8 =	vbroadcast v17, $0x0;
	v7 =	vbroadcast v17, $0x1;
	[tilespmem:s10+$0x125B0] =	vst v4;
	v4 =	vadd.f32 v6, v3  }
0x1c1: {  	v3 =	vbroadcast v17, $0x2;
	v5 =	vld [tilespmem:s15+$0xE5F0];
	[tilespmem:s10+$0x125C0] =	vst v2;
	v0 =	vadd.f32 v0, v10  }
0x1c2: {  	v2 =	vld [tilespmem:s8+$0xFFFFFFF8];
	v6 =	vmul.f32 v13, v8;
	v9 =	vmul.f32 v14, v7;
	[tilespmem:s10+$0x125D0] =	vst v4  }
0x1c3: {  	v4 =	vld [tilespmem:s15+$0x8420];
	v22 =	vbroadcast v11, $0x0;
	v23 =	vbroadcast v11, $0x1;
	[tilespmem:s10+$0x125E0] =	vst v0;
	s10 =	smov.u32 s15  }
0x1c4: {  	v0 =	vbroadcast v17, $0x3;
	v10 =	vld [tilespmem:s10+$0xA420];
	v9 =	vadd.f32 v9, v6;
	v12 =	vmul.f32 v12, v3  }
0x1c5: {  	v13 =	vld [tilespmem:s10+$0x8430];
	v19 =	vbroadcast v1, $0x0;
	v17 =	vbroadcast v1, $0x1  }
0x1c6: {  	v6 =	vbroadcast v11, $0x2;
	v14 =	vld [tilespmem:s10+$0xA430];
	v12 =	vadd.f32 v12, v9;
	v15 =	vmul.f32 v5, v0  }
0x1c7: {  	v16 =	vbroadcast v2, $0x0;
	v18 =	vbroadcast v2, $0x1;
	v20 =	vld [tilespmem:s10+$0x8440]  }
0x1c8: {  	v5 =	vbroadcast v1, $0x2;
	v9 =	vbroadcast v2, $0x2;
	v21 =	vld [tilespmem:s10+$0xA440];
	v12 =	vadd.f32 v15, v12  }
0x1c9: {  	v15 =	vmul.f32 v16, v4;
	v10 =	vmul.f32 v10, v18;
	v24 =	vld [tilespmem:s10+$0x8450]  }
0x1ca: {  	v4 =	vbroadcast v2, $0x3;
	v13 =	vmul.f32 v13, v16;
	v25 =	vld [tilespmem:s10+$0xA450];
	[tilespmem:s10+$0x125F0] =	vst v12  }
0x1cb: {  	v2 =	vbroadcast v11, $0x3;
	v10 =	vadd.f32 v10, v15;
	v12 =	vmul.f32 v14, v18;
	v14 =	vld [tilespmem:s10+$0x8460]  }
0x1cc: {  	v1 =	vbroadcast v1, $0x3;
	v15 =	vmul.f32 v20, v16;
	v20 =	vld [tilespmem:s10+$0xA460]  }
0x1cd: {  	v11 =	vadd.f32 v12, v13;
	v12 =	vmul.f32 v21, v18;
	v21 =	vld [tilespmem:s10+$0x8470]  }
0x1ce: {  	v13 =	vmul.f32 v24, v16;
	v24 =	vld [tilespmem:s10+$0xA470]  }
0x1cf: {  	v12 =	vadd.f32 v12, v15;
	v15 =	vmul.f32 v25, v18;
	v25 =	vld [tilespmem:s10+$0x84A0]  }
0x1d0: {  	v14 =	vmul.f32 v14, v16;
	v26 =	vld [tilespmem:s10+$0xA4A0]  }
0x1d1: {  	v13 =	vadd.f32 v15, v13;
	v15 =	vmul.f32 v20, v18;
	v20 =	vld [tilespmem:s10+$0x84B0]  }
0x1d2: {  	v16 =	vmul.f32 v21, v16;
	v21 =	vld [tilespmem:s10+$0xA4B0]  }
0x1d3: {  	v14 =	vadd.f32 v15, v14;
	v15 =	vmul.f32 v24, v18;
	v18 =	vld [tilespmem:s10+$0x84C0]  }
0x1d4: {  	v24 =	vmul.f32 v22, v25;
	v25 =	vld [tilespmem:s10+$0xA4C0]  }
0x1d5: {  	v15 =	vadd.f32 v15, v16;
	v16 =	vmul.f32 v26, v23;
	v26 =	vld [tilespmem:s10+$0x84D0]  }
0x1d6: {  	v20 =	vmul.f32 v20, v22;
	v27 =	vld [tilespmem:s10+$0xA4D0]  }
0x1d7: {  	v16 =	vadd.f32 v16, v24;
	v21 =	vmul.f32 v21, v23;
	v24 =	vld [tilespmem:s10+$0x84E0]  }
0x1d8: {  	v28 =	vmul.f32 v18, v22;
	v29 =	vld [tilespmem:s10+$0xA4E0]  }
0x1d9: {  	v18 =	vadd.f32 v21, v20;
	v20 =	vmul.f32 v25, v23;
	v25 =	vld [tilespmem:s10+$0x84F0]  }
0x1da: {  	v21 =	vmul.f32 v26, v22;
	v26 =	vld [tilespmem:s10+$0xA4F0]  }
0x1db: {  	v20 =	vadd.f32 v20, v28;
	v27 =	vmul.f32 v27, v23;
	v28 =	vld [tilespmem:s10+$0x8520]  }
0x1dc: {  	v24 =	vmul.f32 v24, v22;
	v30 =	vld [tilespmem:s10+$0xA520]  }
0x1dd: {  	v21 =	vadd.f32 v27, v21;
	v27 =	vmul.f32 v29, v23;
	v29 =	vld [tilespmem:s10+$0x8530]  }
0x1de: {  	v22 =	vmul.f32 v25, v22;
	v25 =	vld [tilespmem:s10+$0xA530]  }
0x1df: {  	v24 =	vadd.f32 v27, v24;
	v23 =	vmul.f32 v26, v23;
	v26 =	vld [tilespmem:s10+$0x8540]  }
0x1e0: {  	v27 =	vmul.f32 v19, v28;
	v28 =	vld [tilespmem:s10+$0xA540]  }
0x1e1: {  	v22 =	vadd.f32 v23, v22;
	v23 =	vmul.f32 v30, v17;
	v30 =	vld [tilespmem:s10+$0x8550]  }
0x1e2: {  	v29 =	vmul.f32 v29, v19;
	v31 =	vld [tilespmem:s10+$0xA550]  }
0x1e3: {  	v23 =	vadd.f32 v23, v27;
	v25 =	vmul.f32 v25, v17;
	v27 =	vld [tilespmem:s10+$0x8560]  }
0x1e4: {  	v26 =	vmul.f32 v26, v19;
	v32 =	vld [tilespmem:s10+$0xA560]  }
0x1e5: {  	v25 =	vadd.f32 v25, v29;
	v28 =	vmul.f32 v28, v17;
	v29 =	vld [tilespmem:s10+$0x8570]  }
0x1e6: {  	v30 =	vmul.f32 v30, v19;
	v33 =	vld [tilespmem:s10+$0xA570]  }
0x1e7: {  	v26 =	vadd.f32 v28, v26;
	v28 =	vmul.f32 v31, v17;
	v31 =	vld [tilespmem:s10+$0x85A0]  }
0x1e8: {  	v27 =	vmul.f32 v27, v19;
	v34 =	vld [tilespmem:s10+$0xA5A0]  }
0x1e9: {  	v28 =	vadd.f32 v28, v30;
	v30 =	vmul.f32 v32, v17;
	v32 =	vld [tilespmem:s10+$0x85B0]  }
0x1ea: {  	v19 =	vmul.f32 v29, v19;
	v29 =	vld [tilespmem:s10+$0xA5B0]  }
0x1eb: {  	v27 =	vadd.f32 v30, v27;
	v17 =	vmul.f32 v33, v17;
	v30 =	vld [tilespmem:s10+$0x85C0]  }
0x1ec: {  	v31 =	vmul.f32 v8, v31;
	v33 =	vld [tilespmem:s10+$0xA5C0]  }
0x1ed: {  	v17 =	vadd.f32 v17, v19;
	v19 =	vmul.f32 v34, v7;
	v34 =	vld [tilespmem:s10+$0x85D0]  }
0x1ee: {  	v32 =	vmul.f32 v32, v8;
	v35 =	vld [tilespmem:s10+$0xA5D0]  }
0x1ef: {  	v19 =	vadd.f32 v19, v31;
	v29 =	vmul.f32 v29, v7;
	v31 =	vld [tilespmem:s10+$0x85E0]  }
0x1f0: {  	v30 =	vmul.f32 v30, v8;
	v36 =	vld [tilespmem:s10+$0xA5E0]  }
0x1f1: {  	v37 =	vld [tilespmem:s10+$0xC420];
	v29 =	vadd.f32 v29, v32;
	v32 =	vmul.f32 v33, v7  }
0x1f2: {  	v33 =	vld [tilespmem:s10+$0xC430];
	v34 =	vmul.f32 v34, v8  }
0x1f3: {  	v38 =	vld [tilespmem:s10+$0xC440];
	v30 =	vadd.f32 v32, v30;
	v32 =	vmul.f32 v35, v7  }
0x1f4: {  	v35 =	vld [tilespmem:s10+$0xC450];
	v8 =	vmul.f32 v31, v8  }
0x1f5: {  	v31 =	vld [tilespmem:s10+$0xC460];
	v32 =	vadd.f32 v32, v34;
	v7 =	vmul.f32 v36, v7  }
0x1f6: {  	v34 =	vmul.f32 v37, v9;
	v36 =	vld [tilespmem:s10+$0xC470]  }
0x1f7: {  	v33 =	vmul.f32 v33, v9;
	v37 =	vld [tilespmem:s10+$0xC4A0];
	v39 =	vadd.f32 v7, v8  }
0x1f8: {  	v34 =	vadd.f32 v34, v10;
	v7 =	vmul.f32 v38, v9;
	v8 =	vld [tilespmem:s10+$0xC4B0]  }
0x1f9: {  	v11 =	vadd.f32 v33, v11;
	v10 =	vmul.f32 v35, v9;
	v33 =	vld [tilespmem:s10+$0xC4C0]  }
0x1fa: {  	v12 =	vadd.f32 v7, v12;
	v7 =	vmul.f32 v31, v9;
	v31 =	vld [tilespmem:s10+$0xC4D0]  }
0x1fb: {  	v13 =	vadd.f32 v10, v13;
	v9 =	vmul.f32 v36, v9;
	v10 =	vld [tilespmem:s10+$0xC4E0]  }
0x1fc: {  	v14 =	vadd.f32 v7, v14;
	v7 =	vmul.f32 v37, v6;
	v35 =	vld [tilespmem:s10+$0xC4F0]  }
0x1fd: {  	v15 =	vadd.f32 v9, v15;
	v8 =	vmul.f32 v8, v6;
	v9 =	vld [tilespmem:s10+$0xC520]  }
0x1fe: {  	v16 =	vadd.f32 v7, v16;
	v7 =	vmul.f32 v33, v6;
	v33 =	vld [tilespmem:s10+$0xC530]  }
0x1ff: {  	v18 =	vadd.f32 v8, v18;
	v8 =	vmul.f32 v31, v6;
	v31 =	vld [tilespmem:s10+$0xC540]  }
0x200: {  	v20 =	vadd.f32 v7, v20;
	v7 =	vmul.f32 v10, v6;
	v10 =	vld [tilespmem:s10+$0xC550]  }
0x201: {  	v21 =	vadd.f32 v8, v21;
	v6 =	vmul.f32 v35, v6;
	v8 =	vld [tilespmem:s10+$0xC560]  }
0x202: {  	v24 =	vadd.f32 v7, v24;
	v7 =	vmul.f32 v9, v5;
	v9 =	vld [tilespmem:s10+$0xC570]  }
0x203: {  	v22 =	vadd.f32 v6, v22;
	v6 =	vmul.f32 v33, v5;
	v33 =	vld [tilespmem:s10+$0xC5A0]  }
0x204: {  	v23 =	vadd.f32 v7, v23;
	v7 =	vmul.f32 v31, v5;
	v31 =	vld [tilespmem:s10+$0xC5B0]  }
0x205: {  	v25 =	vadd.f32 v6, v25;
	v6 =	vmul.f32 v10, v5;
	v10 =	vld [tilespmem:s10+$0xC5C0]  }
0x206: {  	v26 =	vadd.f32 v7, v26;
	v7 =	vmul.f32 v8, v5;
	v35 =	vld [tilespmem:s10+$0xC5D0]  }
0x207: {  	v28 =	vadd.f32 v6, v28;
	v6 =	vmul.f32 v9, v5;
	v36 =	vld [tilespmem:s10+$0xC5E0]  }
0x208: {  	v37 =	vld [tilespmem:s10+$0xE420];
	v5 =	vadd.f32 v7, v27;
	v7 =	vmul.f32 v33, v3  }
0x209: {  	v27 =	vld [tilespmem:s10+$0xE430];
	v6 =	vadd.f32 v6, v17;
	v8 =	vmul.f32 v31, v3  }
0x20a: {  	v17 =	vld [tilespmem:s10+$0xE440];
	v7 =	vadd.f32 v7, v19;
	v9 =	vmul.f32 v10, v3  }
0x20b: {  	v19 =	vld [tilespmem:s10+$0xE450];
	v8 =	vadd.f32 v8, v29;
	v10 =	vmul.f32 v35, v3  }
0x20c: {  	v29 =	vld [tilespmem:s10+$0xE460];
	v9 =	vadd.f32 v9, v30;
	v30 =	vmul.f32 v36, v3  }
0x20d: {  	v31 =	vmul.f32 v37, v4;
	v33 =	vld [tilespmem:s10+$0xE470];
	v3 =	vadd.f32 v10, v32  }
0x20e: {  	v27 =	vmul.f32 v27, v4;
	v32 =	vld [tilespmem:s10+$0xE4A0];
	v10 =	vadd.f32 v30, v39  }
0x20f: {  	v30 =	vadd.f32 v31, v34;
	v17 =	vmul.f32 v17, v4;
	v31 =	vld [tilespmem:s10+$0xE4B0]  }
0x210: {  	v11 =	vadd.f32 v27, v11;
	v19 =	vmul.f32 v19, v4;
	v27 =	vld [tilespmem:s10+$0xE4C0]  }
0x211: {  	[tilespmem:s10+$0x12420] =	vst v30;
	v12 =	vadd.f32 v17, v12;
	v17 =	vmul.f32 v29, v4;
	v29 =	vld [tilespmem:s10+$0xE4D0]  }
0x212: {  	[tilespmem:s10+$0x12430] =	vst v11;
	v11 =	vadd.f32 v19, v13;
	v4 =	vmul.f32 v33, v4;
	v13 =	vld [tilespmem:s10+$0xE4E0]  }
0x213: {  	[tilespmem:s10+$0x12440] =	vst v12;
	v12 =	vadd.f32 v17, v14;
	v14 =	vmul.f32 v32, v2;
	v17 =	vld [tilespmem:s10+$0xE4F0]  }
0x214: {  	[tilespmem:s10+$0x12450] =	vst v11;
	v4 =	vadd.f32 v4, v15;
	v11 =	vmul.f32 v31, v2;
	v15 =	vld [tilespmem:s10+$0xE520]  }
0x215: {  	[tilespmem:s10+$0x12460] =	vst v12;
	v12 =	vadd.f32 v14, v16;
	v14 =	vmul.f32 v27, v2;
	v16 =	vld [tilespmem:s10+$0xE530]  }
0x216: {  	[tilespmem:s10+$0x12470] =	vst v4;
	v4 =	vadd.f32 v11, v18;
	v11 =	vmul.f32 v29, v2;
	v18 =	vld [tilespmem:s10+$0xE540]  }
0x217: {  	[tilespmem:s10+$0x124A0] =	vst v12;
	v12 =	vadd.f32 v14, v20;
	v13 =	vmul.f32 v13, v2;
	v14 =	vld [tilespmem:s10+$0xE550]  }
0x218: {  	[tilespmem:s10+$0x124B0] =	vst v4;
	v4 =	vadd.f32 v11, v21;
	v2 =	vmul.f32 v17, v2;
	v17 =	vld [tilespmem:s10+$0xE560]  }
0x219: {  	[tilespmem:s10+$0x124C0] =	vst v12;
	v11 =	vadd.f32 v13, v24;
	v12 =	vmul.f32 v15, v1;
	v15 =	vld [tilespmem:s10+$0xE570]  }
.Ltmp1:
0x21a: {  	[tilespmem:s10+$0x124D0] =	vst v4;
	v13 =	vadd.f32 v2, v22;
	v16 =	vmul.f32 v16, v1;
	v2 =	vld [tilespmem:s10+$0xE5A0];
	(pc) =	sbr.rel @p0 .LBB2_5-.Ltmp1, $4  }
0x21b: {  	[tilespmem:s10+$0x124E0] =	vst v11;
	v12 =	vadd.f32 v12, v23;
	v18 =	vmul.f32 v18, v1;
	v4 =	vld [tilespmem:s10+$0xE5B0]  }
0x21c: {  	[tilespmem:s10+$0x124F0] =	vst v13;
	v19 =	vadd.f32 v16, v25;
	v14 =	vmul.f32 v14, v1;
	v11 =	vld [tilespmem:s10+$0xE5C0]  }
0x21d: {  	[tilespmem:s10+$0x12520] =	vst v12;
	v13 =	vadd.f32 v18, v26;
	v16 =	vmul.f32 v17, v1;
	v12 =	vld [tilespmem:s10+$0xE5D0]  }
0x21e: {  	s12 =	sadd.s32 $0x800, s12;
	s8 =	sadd.s32 $0x10, s8;
	[tilespmem:s10+$0x12530] =	vst v19;
	v14 =	vadd.f32 v14, v28;
	v15 =	vmul.f32 v15, v1;
	v1 =	vld [tilespmem:s10+$0xE5E0]  }
0x21f: {  	[tilespmem:s10+$0x12540] =	vst v13;
	v5 =	vadd.f32 v16, v5;
	v2 =	vmul.f32 v2, v0  }
0x220: {  	[tilespmem:s10+$0x12550] =	vst v14;
	v6 =	vadd.f32 v15, v6;
	v4 =	vmul.f32 v4, v0  }
0x221: {  	[tilespmem:s10+$0x12560] =	vst v5;
	v2 =	vadd.f32 v2, v7;
	v59 =	vmul.f32 v11, v0  }
0x222: {  	[tilespmem:s10+$0x12570] =	vst v6;
	v4 =	vadd.f32 v4, v8;
	v60 =	vmul.f32 v12, v0  }
0x223: {  	[tilespmem:s10+$0x125A0] =	vst v2;
	v61 =	vadd.f32 v59, v9;
	v62 =	vmul.f32 v1, v0  }
0x224: {  	[tilespmem:s10+$0x125B0] =	vst v4;
	v63 =	vadd.f32 v60, v3  }
0x225: {  	s8 =	sshll.u32 s9, $0x4;
	s19 =	sadd.s32 $0x1, s19;
	[tilespmem:s10+$0x125C0] =	vst v61;
	v0 =	vadd.f32 v62, v10  }
0x226: {  	s8 =	sand.u32 $0x1FFFFC00, s8;
	p0 =	sne.s32 s19, $0x31;
	[tilespmem:s10+$0x125D0] =	vst v63  }
.Ltmp2:
0x227: {  	s8 =	sadd.s32 s5, s8;
	[tilespmem:s10+$0x125E0] =	vst v0;
	(pc) =	sbr.rel @p0 .LBB2_2-.Ltmp2, $4  }
0x228: {  	[hbm4b:s8+s6] =	stream.linear.scatter [tilespmem:s24], [sflag:$0x3], $0x2000, $0x38;
	[tilespmem:$0x14420] =	vst v63  }
0x229: {  	_ =	swait.ge [sflag:s16], $0x2000  }
0x22a: {  	[sflag:s16] =	ssyncset.done $0x0  }
0x22b: {  	[sflag:s16] =	ssyncadd.s32 $0xFFFFE000  }
0x22c: {  	s9 =	rddreg [dreg:$0xb]  }
0x22d: {  	s8 =	rddreg [dreg:$0xa];
	s9 =	sadd.s32 $0x1, s9  }
0x22e: {  	p0 =	sne.s32 s9, s8  }
.Ltmp3:
0x22f: {  	_ = 	snop;
	(pc) =	sbr.rel @p0 .LBB2_1-.Ltmp3, $1  }
0x230: {  	_ =	sdelay $0x3  }
0x231: {  	_ =	sfence.sel $0x180000  }
0x232: {  	[bflag:$0x0] =	sbarrier.arrive $0xFFFF  }
0x233: {  	_ =	strace $0x90000047  }
0x234: {  	s0 =	stileid.u32;
	[bflag:$0x2] =	sbarrier.arrive $0xFFFF  }
0x235: {  	p0 =	sne.s32 s0, $0x0;
	s0 =	rddreg [dreg:$0x4]  }
0x236: {  	s0 =	sadd.s32 @!p0 $0x100000, s0  }
0x237: {  	[sflag:s0] =	ssyncadd.tile.s32 @!p0 $0x1;
	_ =	shalt  }
.Lfunc_end2:
_tile_overlayer_lowered:
.L_overlay_start_2:
0x238: {  	(tag) =	ssettag $0x2  }
0x239: {  	s0 =	rddreg [dreg:$0x0];
	s2 =	stileid.u32  }
0x23a: {  	s1 =	rddreg [dreg:$0x1];
	p0 =	sne.s32 s2, $0x0  }
0x23b: {  	s3 =	rddreg [dreg:$0x2];
	[bflag:$0x3] =	sbarrier.arrive $0xFFFF;
	s2 =	simm.s32 @!p0 $0x1C03  }
0x23c: {  	[timem:s3], [sflag:s2] =	dma.local @!p0 [hbm:s0], s1  }
0x23d: {  	s0 =	simm.s32 @!p0 $0x3  }
0x23e: {  	_ =	swait.ge @!p0 [sflag:s0], s1  }
0x23f: {  	s1 =	ssub.s32 @!p0 $0x0, s1;
	[sflag:s0] =	ssyncset.done @!p0 $0x0  }
0x240: {  	[sflag:s0] =	ssyncadd.s32 @!p0 s1  }
0x241: {  	[bflag:$0x3] =	sbarrier.arrive $0xFFFF  }
0x242: {  	_ =	shalt  }

</sc_bundles>
